<compile_context>
chip_gen: v7x
topology: tpu7x:2x2x1
jax: 0.10.2.dev20260603
libtpu: 0.0.44.dev20260713+nightly
codegen_flags: <defaults>
</compile_context>

<pallas_src>
import jax
import jax.numpy as jnp
from jax import lax
from jax.experimental import pallas as pl
from jax.experimental.pallas import tpu as pltpu
from jax.experimental.pallas import tpu_sc as plsc

N = 10000
E = 320000
D = 128
NC, NS = 2, 16
NW = NC * NS
EPW = E // NW
CHUNK = 80
NCHUNKS = EPW // CHUNK
ZBLK = 16
RPS = 624
LANES = 16

_mesh = plsc.VectorSubcoreMesh(core_axis_name="c", subcore_axis_name="s")
_partial_t = [jax.ShapeDtypeStruct((NC, N, D), jnp.float32)]


def _fill(ref, nrows, value):
  def body(i, carry):
    r = i // (D // LANES)
    k = i % (D // LANES)
    ref[r, pl.ds(k * LANES, LANES)] = jnp.full((LANES,), value, jnp.float32)
    return carry
  lax.fori_loop(0, nrows * (D // LANES), body, 0)


def _zero_acc(zf, acc, s, zsem):
  r0 = s * RPS
  nblk = jnp.where(s == NS - 1, (N - (NS - 1) * RPS) // ZBLK, RPS // ZBLK)
  def fire(j, carry):
    pltpu.async_copy(zf, acc.at[pl.ds(r0 + j * ZBLK, ZBLK)], zsem)
    return carry
  lax.fori_loop(0, nblk, fire, 0)
  def drain(j, carry):
    pltpu.make_async_copy(zf, acc.at[pl.ds(r0, ZBLK)], zsem).wait()
    return carry
  lax.fori_loop(0, nblk, drain, 0)
  return r0, nblk


def _write_out(acc, out, c, r0, nblk, zsem):
  def fire(j, carry):
    rj = r0 + j * ZBLK
    pltpu.async_copy(acc.at[pl.ds(rj, ZBLK)], out.at[c, pl.ds(rj, ZBLK)], zsem)
    return carry
  lax.fori_loop(0, nblk, fire, 0)
  def drain(j, carry):
    pltpu.make_async_copy(acc.at[pl.ds(r0, ZBLK)], out.at[c, pl.ds(r0, ZBLK)],
                          zsem).wait()
    return carry
  lax.fori_loop(0, nblk, drain, 0)


def _seg_edges(table, srcix, didx, rows, accf, gsem):
  def gix(i):
    return srcix.at[pl.ds(i * CHUNK, CHUNK)]
  pltpu.async_copy(table.at[gix(0)], rows.at[0], gsem)
  pltpu.async_copy(table.at[gix(1)], rows.at[1], gsem)
  def step(i, carry):
    b = lax.rem(i, 2)
    pltpu.make_async_copy(table.at[gix(i)], rows.at[b], gsem).wait()
    pltpu.sync_copy(rows.at[b], accf.at[didx.at[i]], add=True)
    pltpu.async_copy(table.at[gix(i + 2)], rows.at[b], gsem)
    return carry
  lax.fori_loop(0, NCHUNKS - 2, step, 0)
  for i in (NCHUNKS - 2, NCHUNKS - 1):
    b = i % 2
    pltpu.make_async_copy(table.at[gix(i)], rows.at[b], gsem).wait()
    pltpu.sync_copy(rows.at[b], accf.at[didx.at[i]], add=True)


def _deg_scatter(didx, ones, accd, ssem):
  GRP = 5
  def step(j, carry):
    ds = [pltpu.async_copy(ones, accd.at[didx.at[GRP * j + k]], ssem, add=True)
          for k in range(GRP)]
    for dd in ds:
      dd.wait()
    return carry
  lax.fori_loop(0, NCHUNKS // GRP, step, 0)


def _seg_body(table, srcs, dst3, outf, srcix, didx, rows, zf, accf, gsem, zsem):
  c = lax.axis_index("c")
  s = lax.axis_index("s")
  w = c * NS + s

  spre = pltpu.async_copy(srcs.at[pl.ds(w * EPW, EPW)], srcix, gsem)
  dpre = pltpu.async_copy(dst3.at[w], didx, zsem)
  _fill(zf, ZBLK, 0.0)
  spre.wait()
  dpre.wait()

  r0, nblk = _zero_acc(zf, accf, s, zsem)
  plsc.subcore_barrier()

  _seg_edges(table, srcix, didx, rows, accf, gsem)
  plsc.subcore_barrier()

  _write_out(accf, outf, c, r0, nblk, zsem)


_seg_sum = pl.kernel(
    _seg_body,
    out_type=_partial_t,
    mesh=_mesh,
    scratch_types=[
        pltpu.VMEM((EPW,), jnp.int32),
        pltpu.VMEM((NCHUNKS, CHUNK), jnp.int32),
        pltpu.VMEM((2, CHUNK, D), jnp.float32),
        pltpu.VMEM((ZBLK, D), jnp.float32),
        pltpu.VMEM_SHARED((N, D), jnp.float32),
        pltpu.SemaphoreType.DMA,
        pltpu.SemaphoreType.DMA,
    ],
)


def _seg_deg_body(table, srcs, dst3, outf, outd,
                  srcix, didx, rows, zf, accf, gsem, zsem):
  c = lax.axis_index("c")
  s = lax.axis_index("s")
  w = c * NS + s

  spre = pltpu.async_copy(srcs.at[pl.ds(w * EPW, EPW)], srcix, gsem)
  dpre = pltpu.async_copy(dst3.at[w], didx, zsem)
  _fill(zf, ZBLK, 0.0)
  _fill(rows.at[0], CHUNK, 1.0)
  spre.wait()
  dpre.wait()

  r0, nblk = _zero_acc(zf, accf, s, zsem)
  plsc.subcore_barrier()

  _deg_scatter(didx, rows.at[0], accf, gsem)
  plsc.subcore_barrier()

  _write_out(accf, outd, c, r0, nblk, zsem)
  _zero_acc(zf, accf, s, zsem)
  plsc.subcore_barrier()

  _seg_edges(table, srcix, didx, rows, accf, gsem)
  plsc.subcore_barrier()

  _write_out(accf, outf, c, r0, nblk, zsem)


_seg_deg_sum = pl.kernel(
    _seg_deg_body,
    out_type=_partial_t * 2,
    mesh=_mesh,
    scratch_types=[
        pltpu.VMEM((EPW,), jnp.int32),
        pltpu.VMEM((NCHUNKS, CHUNK), jnp.int32),
        pltpu.VMEM((2, CHUNK, D), jnp.float32),
        pltpu.VMEM((ZBLK, D), jnp.float32),
        pltpu.VMEM_SHARED((N, D), jnp.float32),
        pltpu.SemaphoreType.DMA,
        pltpu.SemaphoreType.DMA,
    ],
)

BN = 2000


def _tc1_body(x_ref, wl_ref, wr_ref, b_ref, z_ref, r_ref):
  xb = x_ref[...]
  z_ref[...] = jnp.dot(xb, wl_ref[...], preferred_element_type=jnp.float32)
  r_ref[...] = jnp.dot(xb, wr_ref[...], preferred_element_type=jnp.float32) + b_ref[...]


_tc1 = pl.pallas_call(
    _tc1_body,
    grid=(N // BN,),
    in_specs=[
        pl.BlockSpec((BN, D), lambda i: (i, 0)),
        pl.BlockSpec((D, D), lambda i: (0, 0)),
        pl.BlockSpec((D, D), lambda i: (0, 0)),
        pl.BlockSpec((1, D), lambda i: (0, 0)),
    ],
    out_specs=[pl.BlockSpec((BN, D), lambda i: (i, 0))] * 2,
    out_shape=[jax.ShapeDtypeStruct((N, D), jnp.float32)] * 2,
)


def _tc2_body(p0, p1, d0, d1, r1_ref, wl_ref, wr_ref, b_ref, z_ref, r_ref):
  inv = 1.0 / jnp.maximum(d0[...] + d1[...], 1.0)
  h = jax.nn.sigmoid((p0[...] + p1[...]) * inv + r1_ref[...])
  z_ref[...] = jnp.dot(h, wl_ref[...], preferred_element_type=jnp.float32)
  r_ref[...] = jnp.dot(h, wr_ref[...], preferred_element_type=jnp.float32) + b_ref[...]


_tc2 = pl.pallas_call(
    _tc2_body,
    grid=(N // BN,),
    in_specs=[
        pl.BlockSpec((BN, D), lambda i: (i, 0)),
        pl.BlockSpec((BN, D), lambda i: (i, 0)),
        pl.BlockSpec((BN, D), lambda i: (i, 0)),
        pl.BlockSpec((BN, D), lambda i: (i, 0)),
        pl.BlockSpec((BN, D), lambda i: (i, 0)),
        pl.BlockSpec((D, D), lambda i: (0, 0)),
        pl.BlockSpec((D, D), lambda i: (0, 0)),
        pl.BlockSpec((1, D), lambda i: (0, 0)),
    ],
    out_specs=[pl.BlockSpec((BN, D), lambda i: (i, 0))] * 2,
    out_shape=[jax.ShapeDtypeStruct((N, D), jnp.float32)] * 2,
)


def _tc3_body(q0, q1, d0, d1, r2_ref, out_ref):
  inv = 1.0 / jnp.maximum(d0[...] + d1[...], 1.0)
  out_ref[...] = (q0[...] + q1[...]) * inv + r2_ref[...]


_tc3 = pl.pallas_call(
    _tc3_body,
    grid=(N // BN,),
    in_specs=[pl.BlockSpec((BN, D), lambda i: (i, 0))] * 5,
    out_specs=pl.BlockSpec((BN, D), lambda i: (i, 0)),
    out_shape=jax.ShapeDtypeStruct((N, D), jnp.float32),
)


def kernel(x, edge_index, W1l, W1r, b1, W2l, W2r, b2):
  src = edge_index[0]
  dst3 = edge_index[1].reshape(NW, NCHUNKS, CHUNK)
  z1, r1 = _tc1(x, W1l, W1r, b1.reshape(1, D))
  pf, degp = _seg_deg_sum(z1, src, dst3)
  z2, r2 = _tc2(pf[0], pf[1], degp[0], degp[1], r1, W2l, W2r, b2.reshape(1, D))
  (qf,) = _seg_sum(z2, src, dst3)
  out = _tc3(qf[0], qf[1], degp[0], degp[1], r2)
  return out

# --- scband reference (transcript-rebuilt; emitter-appended) ---
"""Pipeline reference for scband-node-graph-sage-13984413516530 (READ-ONLY COPY).

The authoritative reference and input builder live on the scoring server;
editing this copy changes nothing except your own understanding.
"""

import jax, jax.numpy as jnp
import numpy as np

N = 10000
E = 320000
D_IN = 128
D_HID = 128
D_OUT = 128


def _sage_conv(x, src, dst, Wl, Wr, b, n_nodes):
    # PyG SAGEConv with mean aggregation:
    #   out = lin_l(mean_{j in N(i)} x_j) + lin_r(x_i)
    msgs = x[src]  # gather source node features per edge
    agg = jax.ops.segment_sum(msgs, dst, num_segments=n_nodes)
    deg = jax.ops.segment_sum(jnp.ones((src.shape[0],), dtype=x.dtype), dst, num_segments=n_nodes)
    agg = agg / jnp.maximum(deg, 1.0)[:, None]
    return agg @ Wl + b + x @ Wr


def setup_inputs(seed: int = 0) -> dict:
    key = jax.random.key(seed)
    ks = jax.random.split(key, 8)
    x = jax.random.normal(ks[0], (N, D_IN), dtype=jnp.float32)
    edge_index = jax.random.randint(ks[1], (2, E), 0, N, dtype=jnp.int32)
    s1 = 1.0 / np.sqrt(D_IN)
    s2 = 1.0 / np.sqrt(D_HID)
    W1l = jax.random.uniform(ks[2], (D_IN, D_HID), minval=-s1, maxval=s1, dtype=jnp.float32)
    W1r = jax.random.uniform(ks[3], (D_IN, D_HID), minval=-s1, maxval=s1, dtype=jnp.float32)
    b1 = jnp.zeros((D_HID,), dtype=jnp.float32)
    W2l = jax.random.uniform(ks[4], (D_HID, D_OUT), minval=-s2, maxval=s2, dtype=jnp.float32)
    W2r = jax.random.uniform(ks[5], (D_HID, D_OUT), minval=-s2, maxval=s2, dtype=jnp.float32)
    b2 = jnp.zeros((D_OUT,), dtype=jnp.float32)
    return {"x": x, "edge_index": edge_index, "W1l": W1l, "W1r": W1r, "b1": b1,
            "W2l": W2l, "W2r": W2r, "b2": b2}


def reference(x, edge_index, W1l, W1r, b1, W2l, W2r, b2):
    src = edge_index[0]
    dst = edge_index[1]
    h = _sage_conv(x, src, dst, W1l, W1r, b1, N)
    h = jax.nn.sigmoid(h)
    out = _sage_conv(h, src, dst, W2l, W2r, b2, N)
    return out

if __name__ == "__main__":
    import jax
    _d = setup_inputs()
    print(jax.jit(kernel)(*tuple(_d.values())))

</pallas_src>

<mosaic_0001>
#map = affine_map<(d0, d1) -> (0, 0)>
#map1 = affine_map<(d0, d1) -> (0)>
#map2 = affine_map<(d0, d1) -> (0, 0, 0)>
module attributes {stable_mosaic.version = 14 : i64} {
  func.func @_seg_deg_body(%arg0: i32, %arg1: i32, %arg2: memref<10000x128xf32, #tpu.memory_space<hbm>>, %arg3: memref<320000xi32, #tpu.memory_space<hbm>>, %arg4: memref<32x125x80xi32, #tpu.memory_space<hbm>>, %arg5: memref<2x10000x128xf32, #tpu.memory_space<hbm>>, %arg6: memref<2x10000x128xf32, #tpu.memory_space<hbm>>, %arg7: memref<10000xi32, #tpu.memory_space<vmem>>, %arg8: memref<125x80xi32, #tpu.memory_space<vmem>>, %arg9: memref<2x80x128xf32, #tpu.memory_space<vmem>>, %arg10: memref<16x128xf32, #tpu.memory_space<vmem>>, %arg11: memref<10000x128xf32, #tpu.memory_space<vmem_shared>>, %arg12: memref<!tpu.dma_semaphore, #tpu.memory_space<semaphore_mem>>, %arg13: memref<!tpu.dma_semaphore, #tpu.memory_space<semaphore_mem>>) attributes {dimension_semantics = [#tpu.dimension_semantics<core_parallel>, #tpu.dimension_semantics<subcore_parallel>], iteration_bounds = array<i64: 2, 16>, scalar_prefetch = 0 : i64, scratch_operands = 7 : i64, tpu.core_type = #tpu.core_type<sc_vector_subcore>, window_params = [{transform_indices = #map}, {transform_indices = #map1}, {transform_indices = #map2}, {transform_indices = #map2}, {transform_indices = #map2}]} {
    %mul3A = arith.constant 16 : i32
    %mul3A_0 = arith.muli %arg0, %mul3A : i32
    %add3A = arith.addi %mul3A_0, %arg1 : i32
    %mul3A_1 = arith.constant 10000 : i32
    %mul3A_2 = arith.muli %add3A, %mul3A_1 : i32
    %dma_start3A = tpu.memref_slice %arg3[%mul3A_2] : memref<320000xi32, #tpu.memory_space<hbm>> -> memref<10000xi32, #tpu.memory_space<hbm>>
    %dma_start3A_3 = tpu.memref_slice %arg3[%mul3A_2] : memref<320000xi32, #tpu.memory_space<hbm>> -> memref<10000xi32, #tpu.memory_space<hbm>>
    tpu.enqueue_dma source(%dma_start3A_3 : memref<10000xi32, #tpu.memory_space<hbm>>) target(%arg7 : memref<10000xi32, #tpu.memory_space<vmem>>) target_semaphore(%arg12 : memref<!tpu.dma_semaphore, #tpu.memory_space<semaphore_mem>>)
    %dma_start3A_4 = arith.constant 0 : i32
    %dma_start3A_5 = arith.constant 0 : i32
    %dma_start3A_6 = tpu.memref_slice %arg4[%add3A, %dma_start3A_4, %dma_start3A_5] : memref<32x125x80xi32, #tpu.memory_space<hbm>> -> memref<1x125x80xi32, #tpu.memory_space<hbm>>
    %dma_start3A_7 = tpu.memref_squeeze %dma_start3A_6 : memref<1x125x80xi32, #tpu.memory_space<hbm>> -> memref<125x80xi32, #tpu.memory_space<hbm>>
    %dma_start3A_8 = arith.constant 0 : i32
    %dma_start3A_9 = arith.constant 0 : i32
    %dma_start3A_10 = tpu.memref_slice %arg4[%add3A, %dma_start3A_8, %dma_start3A_9] : memref<32x125x80xi32, #tpu.memory_space<hbm>> -> memref<1x125x80xi32, #tpu.memory_space<hbm>>
    %dma_start3A_11 = tpu.memref_squeeze %dma_start3A_10 : memref<1x125x80xi32, #tpu.memory_space<hbm>> -> memref<125x80xi32, #tpu.memory_space<hbm>>
    tpu.enqueue_dma source(%dma_start3A_11 : memref<125x80xi32, #tpu.memory_space<hbm>>) target(%arg8 : memref<125x80xi32, #tpu.memory_space<vmem>>) target_semaphore(%arg13 : memref<!tpu.dma_semaphore, #tpu.memory_space<semaphore_mem>>)
    %scan3A = arith.constant 0 : i32
    %scan3A_12 = arith.constant 0 : i32
    %scan3A_13 = arith.constant 128 : i32
    %scan3A_14 = arith.addi %scan3A_12, %scan3A_13 : i32
    %scan3A_15 = arith.constant 1 : i32
    scf.for %scan3A_182 = %scan3A_12 to %scan3A_14 step %scan3A_15  : i32 {
      %jit3A_183 = arith.constant 8 : i32
      %div3A = arith.divsi %scan3A_182, %jit3A_183 : i32
      %sign3A = arith.constant 0 : i32
      %sign3A_184 = arith.cmpi sgt, %scan3A_182, %sign3A : i32
      %sign3A_185 = arith.extui %sign3A_184 : i1 to i32
      %sign3A_186 = arith.constant 0 : i32
      %sign3A_187 = arith.cmpi slt, %scan3A_182, %sign3A_186 : i32
      %sign3A_188 = arith.extui %sign3A_187 : i1 to i32
      %sign3A_189 = arith.subi %sign3A_185, %sign3A_188 : i32
      %sign3A_190 = arith.constant 0 : i32
      %sign3A_191 = arith.cmpi sgt, %jit3A_183, %sign3A_190 : i32
      %sign3A_192 = arith.extui %sign3A_191 : i1 to i32
      %sign3A_193 = arith.constant 0 : i32
      %sign3A_194 = arith.cmpi slt, %jit3A_183, %sign3A_193 : i32
      %sign3A_195 = arith.extui %sign3A_194 : i1 to i32
      %sign3A_196 = arith.subi %sign3A_192, %sign3A_195 : i32
      %ne3A = arith.cmpi ne, %sign3A_189, %sign3A_196 : i32
      %rem3A = arith.remsi %scan3A_182, %jit3A_183 : i32
      %ne3A_197 = arith.constant 0 : i32
      %ne3A_198 = arith.cmpi ne, %rem3A, %ne3A_197 : i32
      %and3A = arith.andi %ne3A, %ne3A_198 : i1
      %sub3A = arith.constant 1 : i32
      %sub3A_199 = arith.subi %div3A, %sub3A : i32
      %select_n3A_200 = arith.select %and3A, %sub3A_199, %div3A : i32
      %jit3A_201 = arith.constant 8 : i32
      %eq3A_202 = arith.constant 0 : i32
      %eq3A_203 = arith.cmpi eq, %jit3A_201, %eq3A_202 : i32
      %jit3A_204 = arith.constant 1 : i32
      %select_n3A_205 = arith.select %eq3A_203, %jit3A_204, %jit3A_201 : i32
      %rem3A_206 = arith.remsi %scan3A_182, %select_n3A_205 : i32
      %ne3A_207 = arith.constant 0 : i32
      %ne3A_208 = arith.cmpi ne, %rem3A_206, %ne3A_207 : i32
      %lt3A = arith.constant 0 : i32
      %lt3A_209 = arith.cmpi slt, %rem3A_206, %lt3A : i32
      %lt3A_210 = arith.constant 0 : i32
      %lt3A_211 = arith.cmpi slt, %select_n3A_205, %lt3A_210 : i32
      %ne3A_212 = arith.xori %lt3A_209, %lt3A_211 : i1
      %and3A_213 = arith.andi %ne3A_212, %ne3A_208 : i1
      %add3A_214 = arith.addi %rem3A_206, %select_n3A_205 : i32
      %select_n3A_215 = arith.select %and3A_213, %add3A_214, %rem3A_206 : i32
      %broadcast_in_dim3A = arith.constant 0.000000e+00 : f32
      %broadcast_in_dim3A_216 = vector.broadcast %broadcast_in_dim3A : f32 to vector<16xf32>
      %mul3A_217 = arith.constant 16 : i32
      %mul3A_218 = arith.muli %select_n3A_215, %mul3A_217 : i32
      %swap3A = arith.index_cast %select_n3A_200 : i32 to index
      %swap3A_219 = arith.index_cast %mul3A_218 : i32 to index
      %swap3A_220 = tpu.vector_load %arg10[%swap3A, %swap3A_219] {strides = array<i32>} : memref<16x128xf32, #tpu.memory_space<vmem>>, vector<1x16xf32>,
      %swap3A_221 = vector.shape_cast %swap3A_220 : vector<1x16xf32> to vector<16xf32>
      %swap3A_222 = vector.shape_cast %broadcast_in_dim3A_216 : vector<16xf32> to vector<1x16xf32>
      tpu.vector_store %arg10[%swap3A, %swap3A_219], %swap3A_222 {strides = array<i32>} : memref<16x128xf32, #tpu.memory_space<vmem>>, vector<1x16xf32>,
    }
    %scan3A_16 = arith.constant 128 : i32
    %scan3A_17 = arith.constant 0 : i32
    %scan3A_18 = arith.constant 0 : i32
    %scan3A_19 = arith.constant 0 : i32
    %scan3A_20 = arith.constant 640 : i32
    %scan3A_21 = arith.addi %scan3A_19, %scan3A_20 : i32
    %scan3A_22 = arith.constant 1 : i32
    scf.for %scan3A_182 = %scan3A_19 to %scan3A_21 step %scan3A_22  : i32 {
      %jit3A_183 = arith.constant 8 : i32
      %div3A = arith.divsi %scan3A_182, %jit3A_183 : i32
      %sign3A = arith.constant 0 : i32
      %sign3A_184 = arith.cmpi sgt, %scan3A_182, %sign3A : i32
      %sign3A_185 = arith.extui %sign3A_184 : i1 to i32
      %sign3A_186 = arith.constant 0 : i32
      %sign3A_187 = arith.cmpi slt, %scan3A_182, %sign3A_186 : i32
      %sign3A_188 = arith.extui %sign3A_187 : i1 to i32
      %sign3A_189 = arith.subi %sign3A_185, %sign3A_188 : i32
      %sign3A_190 = arith.constant 0 : i32
      %sign3A_191 = arith.cmpi sgt, %jit3A_183, %sign3A_190 : i32
      %sign3A_192 = arith.extui %sign3A_191 : i1 to i32
      %sign3A_193 = arith.constant 0 : i32
      %sign3A_194 = arith.cmpi slt, %jit3A_183, %sign3A_193 : i32
      %sign3A_195 = arith.extui %sign3A_194 : i1 to i32
      %sign3A_196 = arith.subi %sign3A_192, %sign3A_195 : i32
      %ne3A = arith.cmpi ne, %sign3A_189, %sign3A_196 : i32
      %rem3A = arith.remsi %scan3A_182, %jit3A_183 : i32
      %ne3A_197 = arith.constant 0 : i32
      %ne3A_198 = arith.cmpi ne, %rem3A, %ne3A_197 : i32
      %and3A = arith.andi %ne3A, %ne3A_198 : i1
      %sub3A = arith.constant 1 : i32
      %sub3A_199 = arith.subi %div3A, %sub3A : i32
      %select_n3A_200 = arith.select %and3A, %sub3A_199, %div3A : i32
      %jit3A_201 = arith.constant 8 : i32
      %eq3A_202 = arith.constant 0 : i32
      %eq3A_203 = arith.cmpi eq, %jit3A_201, %eq3A_202 : i32
      %jit3A_204 = arith.constant 1 : i32
      %select_n3A_205 = arith.select %eq3A_203, %jit3A_204, %jit3A_201 : i32
      %rem3A_206 = arith.remsi %scan3A_182, %select_n3A_205 : i32
      %ne3A_207 = arith.constant 0 : i32
      %ne3A_208 = arith.cmpi ne, %rem3A_206, %ne3A_207 : i32
      %lt3A = arith.constant 0 : i32
      %lt3A_209 = arith.cmpi slt, %rem3A_206, %lt3A : i32
      %lt3A_210 = arith.constant 0 : i32
      %lt3A_211 = arith.cmpi slt, %select_n3A_205, %lt3A_210 : i32
      %ne3A_212 = arith.xori %lt3A_209, %lt3A_211 : i1
      %and3A_213 = arith.andi %ne3A_212, %ne3A_208 : i1
      %add3A_214 = arith.addi %rem3A_206, %select_n3A_205 : i32
      %select_n3A_215 = arith.select %and3A_213, %add3A_214, %rem3A_206 : i32
      %broadcast_in_dim3A = arith.constant 1.000000e+00 : f32
      %broadcast_in_dim3A_216 = vector.broadcast %broadcast_in_dim3A : f32 to vector<16xf32>
      %mul3A_217 = arith.constant 16 : i32
      %mul3A_218 = arith.muli %select_n3A_215, %mul3A_217 : i32
      %swap3A = arith.constant 0 : i32
      %swap3A_219 = arith.constant 0 : i32
      %swap3A_220 = tpu.memref_slice %arg9[%scan3A_18, %swap3A, %swap3A_219] : memref<2x80x128xf32, #tpu.memory_space<vmem>> -> memref<1x80x128xf32, #tpu.memory_space<vmem>>
      %swap3A_221 = tpu.memref_squeeze %swap3A_220 : memref<1x80x128xf32, #tpu.memory_space<vmem>> -> memref<80x128xf32, #tpu.memory_space<vmem>>
      %swap3A_222 = arith.index_cast %select_n3A_200 : i32 to index
      %swap3A_223 = arith.index_cast %mul3A_218 : i32 to index
      %swap3A_224 = tpu.vector_load %swap3A_221[%swap3A_222, %swap3A_223] {strides = array<i32>} : memref<80x128xf32, #tpu.memory_space<vmem>>, vector<1x16xf32>,
      %swap3A_225 = vector.shape_cast %swap3A_224 : vector<1x16xf32> to vector<16xf32>
      %swap3A_226 = vector.shape_cast %broadcast_in_dim3A_216 : vector<16xf32> to vector<1x16xf32>
      tpu.vector_store %swap3A_221[%swap3A_222, %swap3A_223], %swap3A_226 {strides = array<i32>} : memref<80x128xf32, #tpu.memory_space<vmem>>, vector<1x16xf32>,
    }
    %scan3A_23 = arith.constant 640 : i32
    %dma_wait3A = tpu.memref_slice %arg3[%mul3A_2] : memref<320000xi32, #tpu.memory_space<hbm>> -> memref<10000xi32, #tpu.memory_space<hbm>>
    %dma_wait3A_24 = tpu.memref_slice %arg3[%mul3A_2] : memref<320000xi32, #tpu.memory_space<hbm>> -> memref<10000xi32, #tpu.memory_space<hbm>>
    tpu.wait_dma2 semaphore(%arg12 : memref<!tpu.dma_semaphore, #tpu.memory_space<semaphore_mem>>) src(%dma_wait3A_24 : memref<10000xi32, #tpu.memory_space<hbm>>) dst(%arg7 : memref<10000xi32, #tpu.memory_space<vmem>>)
    %dma_wait3A_25 = arith.constant 0 : i32
    %dma_wait3A_26 = arith.constant 0 : i32
    %dma_wait3A_27 = tpu.memref_slice %arg4[%add3A, %dma_wait3A_25, %dma_wait3A_26] : memref<32x125x80xi32, #tpu.memory_space<hbm>> -> memref<1x125x80xi32, #tpu.memory_space<hbm>>
    %dma_wait3A_28 = tpu.memref_squeeze %dma_wait3A_27 : memref<1x125x80xi32, #tpu.memory_space<hbm>> -> memref<125x80xi32, #tpu.memory_space<hbm>>
    %dma_wait3A_29 = arith.constant 0 : i32
    %dma_wait3A_30 = arith.constant 0 : i32
    %dma_wait3A_31 = tpu.memref_slice %arg4[%add3A, %dma_wait3A_29, %dma_wait3A_30] : memref<32x125x80xi32, #tpu.memory_space<hbm>> -> memref<1x125x80xi32, #tpu.memory_space<hbm>>
    %dma_wait3A_32 = tpu.memref_squeeze %dma_wait3A_31 : memref<1x125x80xi32, #tpu.memory_space<hbm>> -> memref<125x80xi32, #tpu.memory_space<hbm>>
    tpu.wait_dma2 semaphore(%arg13 : memref<!tpu.dma_semaphore, #tpu.memory_space<semaphore_mem>>) src(%dma_wait3A_32 : memref<125x80xi32, #tpu.memory_space<hbm>>) dst(%arg8 : memref<125x80xi32, #tpu.memory_space<vmem>>)
    %mul3A_33 = arith.constant 624 : i32
    %mul3A_34 = arith.muli %arg1, %mul3A_33 : i32
    %eq3A = arith.constant 15 : i32
    %eq3A_35 = arith.cmpi eq, %arg1, %eq3A : i32
    %jit3A = arith.constant 40 : i32
    %jit3A_36 = arith.constant 39 : i32
    %select_n3A = arith.select %eq3A_35, %jit3A, %jit3A_36 : i32
    %while3A = arith.constant 0 : i32
    %while3A_37 = arith.constant 0 : i32
    %while3A_38 = arith.subi %select_n3A, %while3A_37 : i32
    %while3A_39 = arith.addi %while3A_37, %while3A_38 : i32
    %while3A_40 = arith.constant 1 : i32
    %while3A_41 = arith.divsi %while3A_38, %while3A_40 : i32
    %while3A_42 = arith.muli %while3A_41, %while3A_40 : i32
    %while3A_43 = arith.addi %while3A_37, %while3A_42 : i32
    %while3A_44 = arith.constant 1 : i32
    scf.for %while3A_182 = %while3A_37 to %while3A_43 step %while3A_44  : i32 {
      %mul3A_183 = arith.constant 16 : i32
      %mul3A_184 = arith.muli %while3A_182, %mul3A_183 : i32
      %add3A_185 = arith.addi %mul3A_34, %mul3A_184 : i32
      %dma_start3A_186 = arith.constant 0 : i32
      %dma_start3A_187 = tpu.memref_slice %arg11[%add3A_185, %dma_start3A_186] : memref<10000x128xf32, #tpu.memory_space<vmem_shared>> -> memref<16x128xf32, #tpu.memory_space<vmem_shared>>
      %dma_start3A_188 = arith.constant 0 : i32
      %dma_start3A_189 = tpu.memref_slice %arg11[%add3A_185, %dma_start3A_188] : memref<10000x128xf32, #tpu.memory_space<vmem_shared>> -> memref<16x128xf32, #tpu.memory_space<vmem_shared>>
      tpu.enqueue_dma source(%arg10 : memref<16x128xf32, #tpu.memory_space<vmem>>) target(%dma_start3A_189 : memref<16x128xf32, #tpu.memory_space<vmem_shared>>) target_semaphore(%arg13 : memref<!tpu.dma_semaphore, #tpu.memory_space<semaphore_mem>>)
    }
    %while3A_45 = arith.constant 1 : i32
    scf.for %while3A_182 = %while3A_43 to %while3A_39 step %while3A_45  : i32 {
      %mul3A_183 = arith.constant 16 : i32
      %mul3A_184 = arith.muli %while3A_182, %mul3A_183 : i32
      %add3A_185 = arith.addi %mul3A_34, %mul3A_184 : i32
      %dma_start3A_186 = arith.constant 0 : i32
      %dma_start3A_187 = tpu.memref_slice %arg11[%add3A_185, %dma_start3A_186] : memref<10000x128xf32, #tpu.memory_space<vmem_shared>> -> memref<16x128xf32, #tpu.memory_space<vmem_shared>>
      %dma_start3A_188 = arith.constant 0 : i32
      %dma_start3A_189 = tpu.memref_slice %arg11[%add3A_185, %dma_start3A_188] : memref<10000x128xf32, #tpu.memory_space<vmem_shared>> -> memref<16x128xf32, #tpu.memory_space<vmem_shared>>
      tpu.enqueue_dma source(%arg10 : memref<16x128xf32, #tpu.memory_space<vmem>>) target(%dma_start3A_189 : memref<16x128xf32, #tpu.memory_space<vmem_shared>>) target_semaphore(%arg13 : memref<!tpu.dma_semaphore, #tpu.memory_space<semaphore_mem>>)
    }
    %while3A_46 = arith.constant 0 : i32
    %while3A_47 = arith.constant 0 : i32
    %while3A_48 = arith.subi %select_n3A, %while3A_47 : i32
    %while3A_49 = arith.addi %while3A_47, %while3A_48 : i32
    %while3A_50 = arith.constant 1 : i32
    %while3A_51 = arith.divsi %while3A_48, %while3A_50 : i32
    %while3A_52 = arith.muli %while3A_51, %while3A_50 : i32
    %while3A_53 = arith.addi %while3A_47, %while3A_52 : i32
    %while3A_54 = arith.constant 1 : i32
    scf.for %while3A_182 = %while3A_47 to %while3A_53 step %while3A_54  : i32 {
      %dma_wait3A_183 = arith.constant 0 : i32
      %dma_wait3A_184 = tpu.memref_slice %arg11[%mul3A_34, %dma_wait3A_183] : memref<10000x128xf32, #tpu.memory_space<vmem_shared>> -> memref<16x128xf32, #tpu.memory_space<vmem_shared>>
      %dma_wait3A_185 = arith.constant 0 : i32
      %dma_wait3A_186 = tpu.memref_slice %arg11[%mul3A_34, %dma_wait3A_185] : memref<10000x128xf32, #tpu.memory_space<vmem_shared>> -> memref<16x128xf32, #tpu.memory_space<vmem_shared>>
      tpu.wait_dma2 semaphore(%arg13 : memref<!tpu.dma_semaphore, #tpu.memory_space<semaphore_mem>>) src(%arg10 : memref<16x128xf32, #tpu.memory_space<vmem>>) dst(%dma_wait3A_186 : memref<16x128xf32, #tpu.memory_space<vmem_shared>>)
    }
    %while3A_55 = arith.constant 1 : i32
    scf.for %while3A_182 = %while3A_53 to %while3A_49 step %while3A_55  : i32 {
      %dma_wait3A_183 = arith.constant 0 : i32
      %dma_wait3A_184 = tpu.memref_slice %arg11[%mul3A_34, %dma_wait3A_183] : memref<10000x128xf32, #tpu.memory_space<vmem_shared>> -> memref<16x128xf32, #tpu.memory_space<vmem_shared>>
      %dma_wait3A_185 = arith.constant 0 : i32
      %dma_wait3A_186 = tpu.memref_slice %arg11[%mul3A_34, %dma_wait3A_185] : memref<10000x128xf32, #tpu.memory_space<vmem_shared>> -> memref<16x128xf32, #tpu.memory_space<vmem_shared>>
      tpu.wait_dma2 semaphore(%arg13 : memref<!tpu.dma_semaphore, #tpu.memory_space<semaphore_mem>>) src(%arg10 : memref<16x128xf32, #tpu.memory_space<vmem>>) dst(%dma_wait3A_186 : memref<16x128xf32, #tpu.memory_space<vmem_shared>>)
    }
    %barrier3A = arith.constant 0 : index
    tpu.barrier barrier_id(%barrier3A)
    %scan3A_56 = arith.constant 0 : i32
    %scan3A_57 = arith.constant 0 : i32
    %scan3A_58 = arith.constant 0 : i32
    %scan3A_59 = arith.constant 25 : i32
    %scan3A_60 = arith.addi %scan3A_58, %scan3A_59 : i32
    %scan3A_61 = arith.constant 1 : i32
    scf.for %scan3A_182 = %scan3A_58 to %scan3A_60 step %scan3A_61  : i32 {
      %mul3A_183 = arith.constant 5 : i32
      %mul3A_184 = arith.muli %mul3A_183, %scan3A_182 : i32
      %add3A_185 = arith.constant 0 : i32
      %add3A_186 = arith.addi %mul3A_184, %add3A_185 : i32
      %dma_start3A_187 = arith.constant 0 : i32
      %dma_start3A_188 = arith.constant 0 : i32
      %dma_start3A_189 = tpu.memref_slice %arg9[%scan3A_57, %dma_start3A_187, %dma_start3A_188] : memref<2x80x128xf32, #tpu.memory_space<vmem>> -> memref<1x80x128xf32, #tpu.memory_space<vmem>>
      %dma_start3A_190 = tpu.memref_squeeze %dma_start3A_189 : memref<1x80x128xf32, #tpu.memory_space<vmem>> -> memref<80x128xf32, #tpu.memory_space<vmem>>
      %dma_start3A_191 = arith.constant 0 : i32
      %dma_start3A_192 = tpu.memref_slice %arg8[%add3A_186, %dma_start3A_191] : memref<125x80xi32, #tpu.memory_space<vmem>> -> memref<1x80xi32, #tpu.memory_space<vmem>>
      %dma_start3A_193 = tpu.memref_squeeze %dma_start3A_192 : memref<1x80xi32, #tpu.memory_space<vmem>> -> memref<80xi32, #tpu.memory_space<vmem>>
      %dma_start3A_194 = arith.constant 0 : i32
      %dma_start3A_195 = arith.constant 0 : i32
      %dma_start3A_196 = tpu.memref_slice %arg11[%dma_start3A_194, %dma_start3A_195] : memref<10000x128xf32, #tpu.memory_space<vmem_shared>> -> memref<10000x128xf32, #tpu.memory_space<vmem_shared>>
      tpu.enqueue_indirect_dma source(%dma_start3A_190 : memref<80x128xf32, #tpu.memory_space<vmem>>) target(%dma_start3A_196 : memref<10000x128xf32, #tpu.memory_space<vmem_shared>>) offsets(%dma_start3A_193 : memref<80xi32, #tpu.memory_space<vmem>>) semaphore(%arg12 : memref<!tpu.dma_semaphore, #tpu.memory_space<semaphore_mem>>) {add = true}
      %mul3A_197 = arith.constant 5 : i32
      %mul3A_198 = arith.muli %mul3A_197, %scan3A_182 : i32
      %add3A_199 = arith.constant 1 : i32
      %add3A_200 = arith.addi %mul3A_198, %add3A_199 : i32
      %dma_start3A_201 = arith.constant 0 : i32
      %dma_start3A_202 = arith.constant 0 : i32
      %dma_start3A_203 = tpu.memref_slice %arg9[%scan3A_57, %dma_start3A_201, %dma_start3A_202] : memref<2x80x128xf32, #tpu.memory_space<vmem>> -> memref<1x80x128xf32, #tpu.memory_space<vmem>>
      %dma_start3A_204 = tpu.memref_squeeze %dma_start3A_203 : memref<1x80x128xf32, #tpu.memory_space<vmem>> -> memref<80x128xf32, #tpu.memory_space<vmem>>
      %dma_start3A_205 = arith.constant 0 : i32
      %dma_start3A_206 = tpu.memref_slice %arg8[%add3A_200, %dma_start3A_205] : memref<125x80xi32, #tpu.memory_space<vmem>> -> memref<1x80xi32, #tpu.memory_space<vmem>>
      %dma_start3A_207 = tpu.memref_squeeze %dma_start3A_206 : memref<1x80xi32, #tpu.memory_space<vmem>> -> memref<80xi32, #tpu.memory_space<vmem>>
      %dma_start3A_208 = arith.constant 0 : i32
      %dma_start3A_209 = arith.constant 0 : i32
      %dma_start3A_210 = tpu.memref_slice %arg11[%dma_start3A_208, %dma_start3A_209] : memref<10000x128xf32, #tpu.memory_space<vmem_shared>> -> memref<10000x128xf32, #tpu.memory_space<vmem_shared>>
      tpu.enqueue_indirect_dma source(%dma_start3A_204 : memref<80x128xf32, #tpu.memory_space<vmem>>) target(%dma_start3A_210 : memref<10000x128xf32, #tpu.memory_space<vmem_shared>>) offsets(%dma_start3A_207 : memref<80xi32, #tpu.memory_space<vmem>>) semaphore(%arg12 : memref<!tpu.dma_semaphore, #tpu.memory_space<semaphore_mem>>) {add = true}
      %mul3A_211 = arith.constant 5 : i32
      %mul3A_212 = arith.muli %mul3A_211, %scan3A_182 : i32
      %add3A_213 = arith.constant 2 : i32
      %add3A_214 = arith.addi %mul3A_212, %add3A_213 : i32
      %dma_start3A_215 = arith.constant 0 : i32
      %dma_start3A_216 = arith.constant 0 : i32
      %dma_start3A_217 = tpu.memref_slice %arg9[%scan3A_57, %dma_start3A_215, %dma_start3A_216] : memref<2x80x128xf32, #tpu.memory_space<vmem>> -> memref<1x80x128xf32, #tpu.memory_space<vmem>>
      %dma_start3A_218 = tpu.memref_squeeze %dma_start3A_217 : memref<1x80x128xf32, #tpu.memory_space<vmem>> -> memref<80x128xf32, #tpu.memory_space<vmem>>
      %dma_start3A_219 = arith.constant 0 : i32
      %dma_start3A_220 = tpu.memref_slice %arg8[%add3A_214, %dma_start3A_219] : memref<125x80xi32, #tpu.memory_space<vmem>> -> memref<1x80xi32, #tpu.memory_space<vmem>>
      %dma_start3A_221 = tpu.memref_squeeze %dma_start3A_220 : memref<1x80xi32, #tpu.memory_space<vmem>> -> memref<80xi32, #tpu.memory_space<vmem>>
      %dma_start3A_222 = arith.constant 0 : i32
      %dma_start3A_223 = arith.constant 0 : i32
      %dma_start3A_224 = tpu.memref_slice %arg11[%dma_start3A_222, %dma_start3A_223] : memref<10000x128xf32, #tpu.memory_space<vmem_shared>> -> memref<10000x128xf32, #tpu.memory_space<vmem_shared>>
      tpu.enqueue_indirect_dma source(%dma_start3A_218 : memref<80x128xf32, #tpu.memory_space<vmem>>) target(%dma_start3A_224 : memref<10000x128xf32, #tpu.memory_space<vmem_shared>>) offsets(%dma_start3A_221 : memref<80xi32, #tpu.memory_space<vmem>>) semaphore(%arg12 : memref<!tpu.dma_semaphore, #tpu.memory_space<semaphore_mem>>) {add = true}
      %mul3A_225 = arith.constant 5 : i32
      %mul3A_226 = arith.muli %mul3A_225, %scan3A_182 : i32
      %add3A_227 = arith.constant 3 : i32
      %add3A_228 = arith.addi %mul3A_226, %add3A_227 : i32
      %dma_start3A_229 = arith.constant 0 : i32
      %dma_start3A_230 = arith.constant 0 : i32
      %dma_start3A_231 = tpu.memref_slice %arg9[%scan3A_57, %dma_start3A_229, %dma_start3A_230] : memref<2x80x128xf32, #tpu.memory_space<vmem>> -> memref<1x80x128xf32, #tpu.memory_space<vmem>>
      %dma_start3A_232 = tpu.memref_squeeze %dma_start3A_231 : memref<1x80x128xf32, #tpu.memory_space<vmem>> -> memref<80x128xf32, #tpu.memory_space<vmem>>
      %dma_start3A_233 = arith.constant 0 : i32
      %dma_start3A_234 = tpu.memref_slice %arg8[%add3A_228, %dma_start3A_233] : memref<125x80xi32, #tpu.memory_space<vmem>> -> memref<1x80xi32, #tpu.memory_space<vmem>>
      %dma_start3A_235 = tpu.memref_squeeze %dma_start3A_234 : memref<1x80xi32, #tpu.memory_space<vmem>> -> memref<80xi32, #tpu.memory_space<vmem>>
      %dma_start3A_236 = arith.constant 0 : i32
      %dma_start3A_237 = arith.constant 0 : i32
      %dma_start3A_238 = tpu.memref_slice %arg11[%dma_start3A_236, %dma_start3A_237] : memref<10000x128xf32, #tpu.memory_space<vmem_shared>> -> memref<10000x128xf32, #tpu.memory_space<vmem_shared>>
      tpu.enqueue_indirect_dma source(%dma_start3A_232 : memref<80x128xf32, #tpu.memory_space<vmem>>) target(%dma_start3A_238 : memref<10000x128xf32, #tpu.memory_space<vmem_shared>>) offsets(%dma_start3A_235 : memref<80xi32, #tpu.memory_space<vmem>>) semaphore(%arg12 : memref<!tpu.dma_semaphore, #tpu.memory_space<semaphore_mem>>) {add = true}
      %mul3A_239 = arith.constant 5 : i32
      %mul3A_240 = arith.muli %mul3A_239, %scan3A_182 : i32
      %add3A_241 = arith.constant 4 : i32
      %add3A_242 = arith.addi %mul3A_240, %add3A_241 : i32
      %dma_start3A_243 = arith.constant 0 : i32
      %dma_start3A_244 = arith.constant 0 : i32
      %dma_start3A_245 = tpu.memref_slice %arg9[%scan3A_57, %dma_start3A_243, %dma_start3A_244] : memref<2x80x128xf32, #tpu.memory_space<vmem>> -> memref<1x80x128xf32, #tpu.memory_space<vmem>>
      %dma_start3A_246 = tpu.memref_squeeze %dma_start3A_245 : memref<1x80x128xf32, #tpu.memory_space<vmem>> -> memref<80x128xf32, #tpu.memory_space<vmem>>
      %dma_start3A_247 = arith.constant 0 : i32
      %dma_start3A_248 = tpu.memref_slice %arg8[%add3A_242, %dma_start3A_247] : memref<125x80xi32, #tpu.memory_space<vmem>> -> memref<1x80xi32, #tpu.memory_space<vmem>>
      %dma_start3A_249 = tpu.memref_squeeze %dma_start3A_248 : memref<1x80xi32, #tpu.memory_space<vmem>> -> memref<80xi32, #tpu.memory_space<vmem>>
      %dma_start3A_250 = arith.constant 0 : i32
      %dma_start3A_251 = arith.constant 0 : i32
      %dma_start3A_252 = tpu.memref_slice %arg11[%dma_start3A_250, %dma_start3A_251] : memref<10000x128xf32, #tpu.memory_space<vmem_shared>> -> memref<10000x128xf32, #tpu.memory_space<vmem_shared>>
      tpu.enqueue_indirect_dma source(%dma_start3A_246 : memref<80x128xf32, #tpu.memory_space<vmem>>) target(%dma_start3A_252 : memref<10000x128xf32, #tpu.memory_space<vmem_shared>>) offsets(%dma_start3A_249 : memref<80xi32, #tpu.memory_space<vmem>>) semaphore(%arg12 : memref<!tpu.dma_semaphore, #tpu.memory_space<semaphore_mem>>) {add = true}
      %dma_wait3A_253 = arith.constant 0 : i32
      %dma_wait3A_254 = arith.constant 0 : i32
      %dma_wait3A_255 = tpu.memref_slice %arg9[%scan3A_57, %dma_wait3A_253, %dma_wait3A_254] : memref<2x80x128xf32, #tpu.memory_space<vmem>> -> memref<1x80x128xf32, #tpu.memory_space<vmem>>
      %dma_wait3A_256 = tpu.memref_squeeze %dma_wait3A_255 : memref<1x80x128xf32, #tpu.memory_space<vmem>> -> memref<80x128xf32, #tpu.memory_space<vmem>>
      %dma_wait3A_257 = arith.constant 0 : i32
      %dma_wait3A_258 = tpu.memref_slice %arg8[%add3A_186, %dma_wait3A_257] : memref<125x80xi32, #tpu.memory_space<vmem>> -> memref<1x80xi32, #tpu.memory_space<vmem>>
      %dma_wait3A_259 = tpu.memref_squeeze %dma_wait3A_258 : memref<1x80xi32, #tpu.memory_space<vmem>> -> memref<80xi32, #tpu.memory_space<vmem>>
      %dma_wait3A_260 = arith.constant 0 : i32
      %dma_wait3A_261 = arith.constant 0 : i32
      %dma_wait3A_262 = tpu.memref_slice %arg11[%dma_wait3A_260, %dma_wait3A_261] : memref<10000x128xf32, #tpu.memory_space<vmem_shared>> -> memref<10000x128xf32, #tpu.memory_space<vmem_shared>>
      tpu.wait_indirect_dma semaphore(%arg12 : memref<!tpu.dma_semaphore, #tpu.memory_space<semaphore_mem>>) src(%dma_wait3A_256 : memref<80x128xf32, #tpu.memory_space<vmem>>) dst(%dma_wait3A_262 : memref<10000x128xf32, #tpu.memory_space<vmem_shared>>)
      %dma_wait3A_263 = arith.constant 0 : i32
      %dma_wait3A_264 = arith.constant 0 : i32
      %dma_wait3A_265 = tpu.memref_slice %arg9[%scan3A_57, %dma_wait3A_263, %dma_wait3A_264] : memref<2x80x128xf32, #tpu.memory_space<vmem>> -> memref<1x80x128xf32, #tpu.memory_space<vmem>>
      %dma_wait3A_266 = tpu.memref_squeeze %dma_wait3A_265 : memref<1x80x128xf32, #tpu.memory_space<vmem>> -> memref<80x128xf32, #tpu.memory_space<vmem>>
      %dma_wait3A_267 = arith.constant 0 : i32
      %dma_wait3A_268 = tpu.memref_slice %arg8[%add3A_200, %dma_wait3A_267] : memref<125x80xi32, #tpu.memory_space<vmem>> -> memref<1x80xi32, #tpu.memory_space<vmem>>
      %dma_wait3A_269 = tpu.memref_squeeze %dma_wait3A_268 : memref<1x80xi32, #tpu.memory_space<vmem>> -> memref<80xi32, #tpu.memory_space<vmem>>
      %dma_wait3A_270 = arith.constant 0 : i32
      %dma_wait3A_271 = arith.constant 0 : i32
      %dma_wait3A_272 = tpu.memref_slice %arg11[%dma_wait3A_270, %dma_wait3A_271] : memref<10000x128xf32, #tpu.memory_space<vmem_shared>> -> memref<10000x128xf32, #tpu.memory_space<vmem_shared>>
      tpu.wait_indirect_dma semaphore(%arg12 : memref<!tpu.dma_semaphore, #tpu.memory_space<semaphore_mem>>) src(%dma_wait3A_266 : memref<80x128xf32, #tpu.memory_space<vmem>>) dst(%dma_wait3A_272 : memref<10000x128xf32, #tpu.memory_space<vmem_shared>>)
      %dma_wait3A_273 = arith.constant 0 : i32
      %dma_wait3A_274 = arith.constant 0 : i32
      %dma_wait3A_275 = tpu.memref_slice %arg9[%scan3A_57, %dma_wait3A_273, %dma_wait3A_274] : memref<2x80x128xf32, #tpu.memory_space<vmem>> -> memref<1x80x128xf32, #tpu.memory_space<vmem>>
      %dma_wait3A_276 = tpu.memref_squeeze %dma_wait3A_275 : memref<1x80x128xf32, #tpu.memory_space<vmem>> -> memref<80x128xf32, #tpu.memory_space<vmem>>
      %dma_wait3A_277 = arith.constant 0 : i32
      %dma_wait3A_278 = tpu.memref_slice %arg8[%add3A_214, %dma_wait3A_277] : memref<125x80xi32, #tpu.memory_space<vmem>> -> memref<1x80xi32, #tpu.memory_space<vmem>>
      %dma_wait3A_279 = tpu.memref_squeeze %dma_wait3A_278 : memref<1x80xi32, #tpu.memory_space<vmem>> -> memref<80xi32, #tpu.memory_space<vmem>>
      %dma_wait3A_280 = arith.constant 0 : i32
      %dma_wait3A_281 = arith.constant 0 : i32
      %dma_wait3A_282 = tpu.memref_slice %arg11[%dma_wait3A_280, %dma_wait3A_281] : memref<10000x128xf32, #tpu.memory_space<vmem_shared>> -> memref<10000x128xf32, #tpu.memory_space<vmem_shared>>
      tpu.wait_indirect_dma semaphore(%arg12 : memref<!tpu.dma_semaphore, #tpu.memory_space<semaphore_mem>>) src(%dma_wait3A_276 : memref<80x128xf32, #tpu.memory_space<vmem>>) dst(%dma_wait3A_282 : memref<10000x128xf32, #tpu.memory_space<vmem_shared>>)
      %dma_wait3A_283 = arith.constant 0 : i32
      %dma_wait3A_284 = arith.constant 0 : i32
      %dma_wait3A_285 = tpu.memref_slice %arg9[%scan3A_57, %dma_wait3A_283, %dma_wait3A_284] : memref<2x80x128xf32, #tpu.memory_space<vmem>> -> memref<1x80x128xf32, #tpu.memory_space<vmem>>
      %dma_wait3A_286 = tpu.memref_squeeze %dma_wait3A_285 : memref<1x80x128xf32, #tpu.memory_space<vmem>> -> memref<80x128xf32, #tpu.memory_space<vmem>>
      %dma_wait3A_287 = arith.constant 0 : i32
      %dma_wait3A_288 = tpu.memref_slice %arg8[%add3A_228, %dma_wait3A_287] : memref<125x80xi32, #tpu.memory_space<vmem>> -> memref<1x80xi32, #tpu.memory_space<vmem>>
      %dma_wait3A_289 = tpu.memref_squeeze %dma_wait3A_288 : memref<1x80xi32, #tpu.memory_space<vmem>> -> memref<80xi32, #tpu.memory_space<vmem>>
      %dma_wait3A_290 = arith.constant 0 : i32
      %dma_wait3A_291 = arith.constant 0 : i32
      %dma_wait3A_292 = tpu.memref_slice %arg11[%dma_wait3A_290, %dma_wait3A_291] : memref<10000x128xf32, #tpu.memory_space<vmem_shared>> -> memref<10000x128xf32, #tpu.memory_space<vmem_shared>>
      tpu.wait_indirect_dma semaphore(%arg12 : memref<!tpu.dma_semaphore, #tpu.memory_space<semaphore_mem>>) src(%dma_wait3A_286 : memref<80x128xf32, #tpu.memory_space<vmem>>) dst(%dma_wait3A_292 : memref<10000x128xf32, #tpu.memory_space<vmem_shared>>)
      %dma_wait3A_293 = arith.constant 0 : i32
      %dma_wait3A_294 = arith.constant 0 : i32
      %dma_wait3A_295 = tpu.memref_slice %arg9[%scan3A_57, %dma_wait3A_293, %dma_wait3A_294] : memref<2x80x128xf32, #tpu.memory_space<vmem>> -> memref<1x80x128xf32, #tpu.memory_space<vmem>>
      %dma_wait3A_296 = tpu.memref_squeeze %dma_wait3A_295 : memref<1x80x128xf32, #tpu.memory_space<vmem>> -> memref<80x128xf32, #tpu.memory_space<vmem>>
      %dma_wait3A_297 = arith.constant 0 : i32
      %dma_wait3A_298 = tpu.memref_slice %arg8[%add3A_242, %dma_wait3A_297] : memref<125x80xi32, #tpu.memory_space<vmem>> -> memref<1x80xi32, #tpu.memory_space<vmem>>
      %dma_wait3A_299 = tpu.memref_squeeze %dma_wait3A_298 : memref<1x80xi32, #tpu.memory_space<vmem>> -> memref<80xi32, #tpu.memory_space<vmem>>
      %dma_wait3A_300 = arith.constant 0 : i32
      %dma_wait3A_301 = arith.constant 0 : i32
      %dma_wait3A_302 = tpu.memref_slice %arg11[%dma_wait3A_300, %dma_wait3A_301] : memref<10000x128xf32, #tpu.memory_space<vmem_shared>> -> memref<10000x128xf32, #tpu.memory_space<vmem_shared>>
      tpu.wait_indirect_dma semaphore(%arg12 : memref<!tpu.dma_semaphore, #tpu.memory_space<semaphore_mem>>) src(%dma_wait3A_296 : memref<80x128xf32, #tpu.memory_space<vmem>>) dst(%dma_wait3A_302 : memref<10000x128xf32, #tpu.memory_space<vmem_shared>>)
    }
    %scan3A_62 = arith.constant 25 : i32
    %barrier3A_63 = arith.constant 0 : index
    tpu.barrier barrier_id(%barrier3A_63)
    %while3A_64 = arith.constant 0 : i32
    %while3A_65 = arith.constant 0 : i32
    %while3A_66 = arith.subi %select_n3A, %while3A_65 : i32
    %while3A_67 = arith.addi %while3A_65, %while3A_66 : i32
    %while3A_68 = arith.constant 1 : i32
    %while3A_69 = arith.divsi %while3A_66, %while3A_68 : i32
    %while3A_70 = arith.muli %while3A_69, %while3A_68 : i32
    %while3A_71 = arith.addi %while3A_65, %while3A_70 : i32
    %while3A_72 = arith.constant 1 : i32
    scf.for %while3A_182 = %while3A_65 to %while3A_71 step %while3A_72  : i32 {
      %mul3A_183 = arith.constant 16 : i32
      %mul3A_184 = arith.muli %while3A_182, %mul3A_183 : i32
      %add3A_185 = arith.addi %mul3A_34, %mul3A_184 : i32
      %dma_start3A_186 = arith.constant 0 : i32
      %dma_start3A_187 = tpu.memref_slice %arg6[%arg0, %add3A_185, %dma_start3A_186] : memref<2x10000x128xf32, #tpu.memory_space<hbm>> -> memref<1x16x128xf32, #tpu.memory_space<hbm>>
      %dma_start3A_188 = tpu.memref_squeeze %dma_start3A_187 : memref<1x16x128xf32, #tpu.memory_space<hbm>> -> memref<16x128xf32, #tpu.memory_space<hbm>>
      %dma_start3A_189 = arith.constant 0 : i32
      %dma_start3A_190 = tpu.memref_slice %arg11[%add3A_185, %dma_start3A_189] : memref<10000x128xf32, #tpu.memory_space<vmem_shared>> -> memref<16x128xf32, #tpu.memory_space<vmem_shared>>
      tpu.enqueue_dma source(%dma_start3A_190 : memref<16x128xf32, #tpu.memory_space<vmem_shared>>) target(%dma_start3A_188 : memref<16x128xf32, #tpu.memory_space<hbm>>) target_semaphore(%arg13 : memref<!tpu.dma_semaphore, #tpu.memory_space<semaphore_mem>>)
    }
    %while3A_73 = arith.constant 1 : i32
    scf.for %while3A_182 = %while3A_71 to %while3A_67 step %while3A_73  : i32 {
      %mul3A_183 = arith.constant 16 : i32
      %mul3A_184 = arith.muli %while3A_182, %mul3A_183 : i32
      %add3A_185 = arith.addi %mul3A_34, %mul3A_184 : i32
      %dma_start3A_186 = arith.constant 0 : i32
      %dma_start3A_187 = tpu.memref_slice %arg6[%arg0, %add3A_185, %dma_start3A_186] : memref<2x10000x128xf32, #tpu.memory_space<hbm>> -> memref<1x16x128xf32, #tpu.memory_space<hbm>>
      %dma_start3A_188 = tpu.memref_squeeze %dma_start3A_187 : memref<1x16x128xf32, #tpu.memory_space<hbm>> -> memref<16x128xf32, #tpu.memory_space<hbm>>
      %dma_start3A_189 = arith.constant 0 : i32
      %dma_start3A_190 = tpu.memref_slice %arg11[%add3A_185, %dma_start3A_189] : memref<10000x128xf32, #tpu.memory_space<vmem_shared>> -> memref<16x128xf32, #tpu.memory_space<vmem_shared>>
      tpu.enqueue_dma source(%dma_start3A_190 : memref<16x128xf32, #tpu.memory_space<vmem_shared>>) target(%dma_start3A_188 : memref<16x128xf32, #tpu.memory_space<hbm>>) target_semaphore(%arg13 : memref<!tpu.dma_semaphore, #tpu.memory_space<semaphore_mem>>)
    }
    %while3A_74 = arith.constant 0 : i32
    %while3A_75 = arith.constant 0 : i32
    %while3A_76 = arith.subi %select_n3A, %while3A_75 : i32
    %while3A_77 = arith.addi %while3A_75, %while3A_76 : i32
    %while3A_78 = arith.constant 1 : i32
    %while3A_79 = arith.divsi %while3A_76, %while3A_78 : i32
    %while3A_80 = arith.muli %while3A_79, %while3A_78 : i32
    %while3A_81 = arith.addi %while3A_75, %while3A_80 : i32
    %while3A_82 = arith.constant 1 : i32
    scf.for %while3A_182 = %while3A_75 to %while3A_81 step %while3A_82  : i32 {
      %dma_wait3A_183 = arith.constant 0 : i32
      %dma_wait3A_184 = tpu.memref_slice %arg6[%arg0, %mul3A_34, %dma_wait3A_183] : memref<2x10000x128xf32, #tpu.memory_space<hbm>> -> memref<1x16x128xf32, #tpu.memory_space<hbm>>
      %dma_wait3A_185 = tpu.memref_squeeze %dma_wait3A_184 : memref<1x16x128xf32, #tpu.memory_space<hbm>> -> memref<16x128xf32, #tpu.memory_space<hbm>>
      %dma_wait3A_186 = arith.constant 0 : i32
      %dma_wait3A_187 = tpu.memref_slice %arg11[%mul3A_34, %dma_wait3A_186] : memref<10000x128xf32, #tpu.memory_space<vmem_shared>> -> memref<16x128xf32, #tpu.memory_space<vmem_shared>>
      tpu.wait_dma2 semaphore(%arg13 : memref<!tpu.dma_semaphore, #tpu.memory_space<semaphore_mem>>) src(%dma_wait3A_187 : memref<16x128xf32, #tpu.memory_space<vmem_shared>>) dst(%dma_wait3A_185 : memref<16x128xf32, #tpu.memory_space<hbm>>)
    }
    %while3A_83 = arith.constant 1 : i32
    scf.for %while3A_182 = %while3A_81 to %while3A_77 step %while3A_83  : i32 {
      %dma_wait3A_183 = arith.constant 0 : i32
      %dma_wait3A_184 = tpu.memref_slice %arg6[%arg0, %mul3A_34, %dma_wait3A_183] : memref<2x10000x128xf32, #tpu.memory_space<hbm>> -> memref<1x16x128xf32, #tpu.memory_space<hbm>>
      %dma_wait3A_185 = tpu.memref_squeeze %dma_wait3A_184 : memref<1x16x128xf32, #tpu.memory_space<hbm>> -> memref<16x128xf32, #tpu.memory_space<hbm>>
      %dma_wait3A_186 = arith.constant 0 : i32
      %dma_wait3A_187 = tpu.memref_slice %arg11[%mul3A_34, %dma_wait3A_186] : memref<10000x128xf32, #tpu.memory_space<vmem_shared>> -> memref<16x128xf32, #tpu.memory_space<vmem_shared>>
      tpu.wait_dma2 semaphore(%arg13 : memref<!tpu.dma_semaphore, #tpu.memory_space<semaphore_mem>>) src(%dma_wait3A_187 : memref<16x128xf32, #tpu.memory_space<vmem_shared>>) dst(%dma_wait3A_185 : memref<16x128xf32, #tpu.memory_space<hbm>>)
    }
    %mul3A_84 = arith.constant 624 : i32
    %mul3A_85 = arith.muli %arg1, %mul3A_84 : i32
    %eq3A_86 = arith.constant 15 : i32
    %eq3A_87 = arith.cmpi eq, %arg1, %eq3A_86 : i32
    %jit3A_88 = arith.constant 40 : i32
    %jit3A_89 = arith.constant 39 : i32
    %select_n3A_90 = arith.select %eq3A_87, %jit3A_88, %jit3A_89 : i32
    %while3A_91 = arith.constant 0 : i32
    %while3A_92 = arith.constant 0 : i32
    %while3A_93 = arith.subi %select_n3A_90, %while3A_92 : i32
    %while3A_94 = arith.addi %while3A_92, %while3A_93 : i32
    %while3A_95 = arith.constant 1 : i32
    %while3A_96 = arith.divsi %while3A_93, %while3A_95 : i32
    %while3A_97 = arith.muli %while3A_96, %while3A_95 : i32
    %while3A_98 = arith.addi %while3A_92, %while3A_97 : i32
    %while3A_99 = arith.constant 1 : i32
    scf.for %while3A_182 = %while3A_92 to %while3A_98 step %while3A_99  : i32 {
      %mul3A_183 = arith.constant 16 : i32
      %mul3A_184 = arith.muli %while3A_182, %mul3A_183 : i32
      %add3A_185 = arith.addi %mul3A_85, %mul3A_184 : i32
      %dma_start3A_186 = arith.constant 0 : i32
      %dma_start3A_187 = tpu.memref_slice %arg11[%add3A_185, %dma_start3A_186] : memref<10000x128xf32, #tpu.memory_space<vmem_shared>> -> memref<16x128xf32, #tpu.memory_space<vmem_shared>>
      %dma_start3A_188 = arith.constant 0 : i32
      %dma_start3A_189 = tpu.memref_slice %arg11[%add3A_185, %dma_start3A_188] : memref<10000x128xf32, #tpu.memory_space<vmem_shared>> -> memref<16x128xf32, #tpu.memory_space<vmem_shared>>
      tpu.enqueue_dma source(%arg10 : memref<16x128xf32, #tpu.memory_space<vmem>>) target(%dma_start3A_189 : memref<16x128xf32, #tpu.memory_space<vmem_shared>>) target_semaphore(%arg13 : memref<!tpu.dma_semaphore, #tpu.memory_space<semaphore_mem>>)
    }
    %while3A_100 = arith.constant 1 : i32
    scf.for %while3A_182 = %while3A_98 to %while3A_94 step %while3A_100  : i32 {
      %mul3A_183 = arith.constant 16 : i32
      %mul3A_184 = arith.muli %while3A_182, %mul3A_183 : i32
      %add3A_185 = arith.addi %mul3A_85, %mul3A_184 : i32
      %dma_start3A_186 = arith.constant 0 : i32
      %dma_start3A_187 = tpu.memref_slice %arg11[%add3A_185, %dma_start3A_186] : memref<10000x128xf32, #tpu.memory_space<vmem_shared>> -> memref<16x128xf32, #tpu.memory_space<vmem_shared>>
      %dma_start3A_188 = arith.constant 0 : i32
      %dma_start3A_189 = tpu.memref_slice %arg11[%add3A_185, %dma_start3A_188] : memref<10000x128xf32, #tpu.memory_space<vmem_shared>> -> memref<16x128xf32, #tpu.memory_space<vmem_shared>>
      tpu.enqueue_dma source(%arg10 : memref<16x128xf32, #tpu.memory_space<vmem>>) target(%dma_start3A_189 : memref<16x128xf32, #tpu.memory_space<vmem_shared>>) target_semaphore(%arg13 : memref<!tpu.dma_semaphore, #tpu.memory_space<semaphore_mem>>)
    }
    %while3A_101 = arith.constant 0 : i32
    %while3A_102 = arith.constant 0 : i32
    %while3A_103 = arith.subi %select_n3A_90, %while3A_102 : i32
    %while3A_104 = arith.addi %while3A_102, %while3A_103 : i32
    %while3A_105 = arith.constant 1 : i32
    %while3A_106 = arith.divsi %while3A_103, %while3A_105 : i32
    %while3A_107 = arith.muli %while3A_106, %while3A_105 : i32
    %while3A_108 = arith.addi %while3A_102, %while3A_107 : i32
    %while3A_109 = arith.constant 1 : i32
    scf.for %while3A_182 = %while3A_102 to %while3A_108 step %while3A_109  : i32 {
      %dma_wait3A_183 = arith.constant 0 : i32
      %dma_wait3A_184 = tpu.memref_slice %arg11[%mul3A_85, %dma_wait3A_183] : memref<10000x128xf32, #tpu.memory_space<vmem_shared>> -> memref<16x128xf32, #tpu.memory_space<vmem_shared>>
      %dma_wait3A_185 = arith.constant 0 : i32
      %dma_wait3A_186 = tpu.memref_slice %arg11[%mul3A_85, %dma_wait3A_185] : memref<10000x128xf32, #tpu.memory_space<vmem_shared>> -> memref<16x128xf32, #tpu.memory_space<vmem_shared>>
      tpu.wait_dma2 semaphore(%arg13 : memref<!tpu.dma_semaphore, #tpu.memory_space<semaphore_mem>>) src(%arg10 : memref<16x128xf32, #tpu.memory_space<vmem>>) dst(%dma_wait3A_186 : memref<16x128xf32, #tpu.memory_space<vmem_shared>>)
    }
    %while3A_110 = arith.constant 1 : i32
    scf.for %while3A_182 = %while3A_108 to %while3A_104 step %while3A_110  : i32 {
      %dma_wait3A_183 = arith.constant 0 : i32
      %dma_wait3A_184 = tpu.memref_slice %arg11[%mul3A_85, %dma_wait3A_183] : memref<10000x128xf32, #tpu.memory_space<vmem_shared>> -> memref<16x128xf32, #tpu.memory_space<vmem_shared>>
      %dma_wait3A_185 = arith.constant 0 : i32
      %dma_wait3A_186 = tpu.memref_slice %arg11[%mul3A_85, %dma_wait3A_185] : memref<10000x128xf32, #tpu.memory_space<vmem_shared>> -> memref<16x128xf32, #tpu.memory_space<vmem_shared>>
      tpu.wait_dma2 semaphore(%arg13 : memref<!tpu.dma_semaphore, #tpu.memory_space<semaphore_mem>>) src(%arg10 : memref<16x128xf32, #tpu.memory_space<vmem>>) dst(%dma_wait3A_186 : memref<16x128xf32, #tpu.memory_space<vmem_shared>>)
    }
    %barrier3A_111 = arith.constant 0 : index
    tpu.barrier barrier_id(%barrier3A_111)
    %dma_start3A_112 = arith.constant 0 : i32
    %dma_start3A_113 = arith.constant 0 : i32
    %dma_start3A_114 = arith.constant 0 : i32
    %dma_start3A_115 = tpu.memref_slice %arg9[%dma_start3A_112, %dma_start3A_113, %dma_start3A_114] : memref<2x80x128xf32, #tpu.memory_space<vmem>> -> memref<1x80x128xf32, #tpu.memory_space<vmem>>
    %dma_start3A_116 = tpu.memref_squeeze %dma_start3A_115 : memref<1x80x128xf32, #tpu.memory_space<vmem>> -> memref<80x128xf32, #tpu.memory_space<vmem>>
    %dma_start3A_117 = arith.constant 0 : i32
    %dma_start3A_118 = tpu.memref_slice %arg7[%dma_start3A_117] : memref<10000xi32, #tpu.memory_space<vmem>> -> memref<80xi32, #tpu.memory_space<vmem>>
    %dma_start3A_119 = arith.constant 0 : i32
    %dma_start3A_120 = arith.constant 0 : i32
    %dma_start3A_121 = tpu.memref_slice %arg2[%dma_start3A_119, %dma_start3A_120] : memref<10000x128xf32, #tpu.memory_space<hbm>> -> memref<10000x128xf32, #tpu.memory_space<hbm>>
    tpu.enqueue_indirect_dma source(%dma_start3A_121 : memref<10000x128xf32, #tpu.memory_space<hbm>>) target(%dma_start3A_116 : memref<80x128xf32, #tpu.memory_space<vmem>>) offsets(%dma_start3A_118 : memref<80xi32, #tpu.memory_space<vmem>>) semaphore(%arg12 : memref<!tpu.dma_semaphore, #tpu.memory_space<semaphore_mem>>)
    %dma_start3A_122 = arith.constant 1 : i32
    %dma_start3A_123 = arith.constant 0 : i32
    %dma_start3A_124 = arith.constant 0 : i32
    %dma_start3A_125 = tpu.memref_slice %arg9[%dma_start3A_122, %dma_start3A_123, %dma_start3A_124] : memref<2x80x128xf32, #tpu.memory_space<vmem>> -> memref<1x80x128xf32, #tpu.memory_space<vmem>>
    %dma_start3A_126 = tpu.memref_squeeze %dma_start3A_125 : memref<1x80x128xf32, #tpu.memory_space<vmem>> -> memref<80x128xf32, #tpu.memory_space<vmem>>
    %dma_start3A_127 = arith.constant 80 : i32
    %dma_start3A_128 = tpu.memref_slice %arg7[%dma_start3A_127] : memref<10000xi32, #tpu.memory_space<vmem>> -> memref<80xi32, #tpu.memory_space<vmem>>
    %dma_start3A_129 = arith.constant 0 : i32
    %dma_start3A_130 = arith.constant 0 : i32
    %dma_start3A_131 = tpu.memref_slice %arg2[%dma_start3A_129, %dma_start3A_130] : memref<10000x128xf32, #tpu.memory_space<hbm>> -> memref<10000x128xf32, #tpu.memory_space<hbm>>
    tpu.enqueue_indirect_dma source(%dma_start3A_131 : memref<10000x128xf32, #tpu.memory_space<hbm>>) target(%dma_start3A_126 : memref<80x128xf32, #tpu.memory_space<vmem>>) offsets(%dma_start3A_128 : memref<80xi32, #tpu.memory_space<vmem>>) semaphore(%arg12 : memref<!tpu.dma_semaphore, #tpu.memory_space<semaphore_mem>>)
    %scan3A_132 = arith.constant 0 : i32
    %scan3A_133 = arith.constant 0 : i32
    %scan3A_134 = arith.constant 123 : i32
    %scan3A_135 = arith.addi %scan3A_133, %scan3A_134 : i32
    %scan3A_136 = arith.constant 1 : i32
    scf.for %scan3A_182 = %scan3A_133 to %scan3A_135 step %scan3A_136  : i32 {
      %rem3A = arith.constant 2 : i32
      %rem3A_183 = arith.remsi %scan3A_182, %rem3A : i32
      %mul3A_184 = arith.constant 80 : i32
      %mul3A_185 = arith.muli %scan3A_182, %mul3A_184 : i32
      %dma_wait3A_186 = arith.constant 0 : i32
      %dma_wait3A_187 = arith.constant 0 : i32
      %dma_wait3A_188 = tpu.memref_slice %arg9[%rem3A_183, %dma_wait3A_186, %dma_wait3A_187] : memref<2x80x128xf32, #tpu.memory_space<vmem>> -> memref<1x80x128xf32, #tpu.memory_space<vmem>>
      %dma_wait3A_189 = tpu.memref_squeeze %dma_wait3A_188 : memref<1x80x128xf32, #tpu.memory_space<vmem>> -> memref<80x128xf32, #tpu.memory_space<vmem>>
      %dma_wait3A_190 = tpu.memref_slice %arg7[%mul3A_185] : memref<10000xi32, #tpu.memory_space<vmem>> -> memref<80xi32, #tpu.memory_space<vmem>>
      %dma_wait3A_191 = arith.constant 0 : i32
      %dma_wait3A_192 = arith.constant 0 : i32
      %dma_wait3A_193 = tpu.memref_slice %arg2[%dma_wait3A_191, %dma_wait3A_192] : memref<10000x128xf32, #tpu.memory_space<hbm>> -> memref<10000x128xf32, #tpu.memory_space<hbm>>
      tpu.wait_indirect_dma semaphore(%arg12 : memref<!tpu.dma_semaphore, #tpu.memory_space<semaphore_mem>>) src(%dma_wait3A_193 : memref<10000x128xf32, #tpu.memory_space<hbm>>) dst(%dma_wait3A_189 : memref<80x128xf32, #tpu.memory_space<vmem>>)
      "tpu.region"() ({
        %run_scoped3A_206 = tpu.sem_alloc : memref<!tpu.dma_semaphore, #tpu.memory_space<semaphore_mem>>
        %dma_start3A_207 = arith.constant 0 : i32
        %dma_start3A_208 = arith.constant 0 : i32
        %dma_start3A_209 = tpu.memref_slice %arg9[%rem3A_183, %dma_start3A_207, %dma_start3A_208] : memref<2x80x128xf32, #tpu.memory_space<vmem>> -> memref<1x80x128xf32, #tpu.memory_space<vmem>>
        %dma_start3A_210 = tpu.memref_squeeze %dma_start3A_209 : memref<1x80x128xf32, #tpu.memory_space<vmem>> -> memref<80x128xf32, #tpu.memory_space<vmem>>
        %dma_start3A_211 = arith.constant 0 : i32
        %dma_start3A_212 = tpu.memref_slice %arg8[%scan3A_182, %dma_start3A_211] : memref<125x80xi32, #tpu.memory_space<vmem>> -> memref<1x80xi32, #tpu.memory_space<vmem>>
        %dma_start3A_213 = tpu.memref_squeeze %dma_start3A_212 : memref<1x80xi32, #tpu.memory_space<vmem>> -> memref<80xi32, #tpu.memory_space<vmem>>
        %dma_start3A_214 = arith.constant 0 : i32
        %dma_start3A_215 = arith.constant 0 : i32
        %dma_start3A_216 = tpu.memref_slice %arg11[%dma_start3A_214, %dma_start3A_215] : memref<10000x128xf32, #tpu.memory_space<vmem_shared>> -> memref<10000x128xf32, #tpu.memory_space<vmem_shared>>
        tpu.enqueue_indirect_dma source(%dma_start3A_210 : memref<80x128xf32, #tpu.memory_space<vmem>>) target(%dma_start3A_216 : memref<10000x128xf32, #tpu.memory_space<vmem_shared>>) offsets(%dma_start3A_213 : memref<80xi32, #tpu.memory_space<vmem>>) semaphore(%run_scoped3A_206 : memref<!tpu.dma_semaphore, #tpu.memory_space<semaphore_mem>>) {add = true}
        %dma_wait3A_217 = arith.constant 0 : i32
        %dma_wait3A_218 = arith.constant 0 : i32
        %dma_wait3A_219 = tpu.memref_slice %arg9[%rem3A_183, %dma_wait3A_217, %dma_wait3A_218] : memref<2x80x128xf32, #tpu.memory_space<vmem>> -> memref<1x80x128xf32, #tpu.memory_space<vmem>>
        %dma_wait3A_220 = tpu.memref_squeeze %dma_wait3A_219 : memref<1x80x128xf32, #tpu.memory_space<vmem>> -> memref<80x128xf32, #tpu.memory_space<vmem>>
        %dma_wait3A_221 = arith.constant 0 : i32
        %dma_wait3A_222 = tpu.memref_slice %arg8[%scan3A_182, %dma_wait3A_221] : memref<125x80xi32, #tpu.memory_space<vmem>> -> memref<1x80xi32, #tpu.memory_space<vmem>>
        %dma_wait3A_223 = tpu.memref_squeeze %dma_wait3A_222 : memref<1x80xi32, #tpu.memory_space<vmem>> -> memref<80xi32, #tpu.memory_space<vmem>>
        %dma_wait3A_224 = arith.constant 0 : i32
        %dma_wait3A_225 = arith.constant 0 : i32
        %dma_wait3A_226 = tpu.memref_slice %arg11[%dma_wait3A_224, %dma_wait3A_225] : memref<10000x128xf32, #tpu.memory_space<vmem_shared>> -> memref<10000x128xf32, #tpu.memory_space<vmem_shared>>
        tpu.wait_indirect_dma semaphore(%run_scoped3A_206 : memref<!tpu.dma_semaphore, #tpu.memory_space<semaphore_mem>>) src(%dma_wait3A_220 : memref<80x128xf32, #tpu.memory_space<vmem>>) dst(%dma_wait3A_226 : memref<10000x128xf32, #tpu.memory_space<vmem_shared>>)
        tpu.yield
      }) : () -> ()
      %add3A_194 = arith.constant 2 : i32
      %add3A_195 = arith.addi %scan3A_182, %add3A_194 : i32
      %mul3A_196 = arith.constant 80 : i32
      %mul3A_197 = arith.muli %add3A_195, %mul3A_196 : i32
      %dma_start3A_198 = arith.constant 0 : i32
      %dma_start3A_199 = arith.constant 0 : i32
      %dma_start3A_200 = tpu.memref_slice %arg9[%rem3A_183, %dma_start3A_198, %dma_start3A_199] : memref<2x80x128xf32, #tpu.memory_space<vmem>> -> memref<1x80x128xf32, #tpu.memory_space<vmem>>
      %dma_start3A_201 = tpu.memref_squeeze %dma_start3A_200 : memref<1x80x128xf32, #tpu.memory_space<vmem>> -> memref<80x128xf32, #tpu.memory_space<vmem>>
      %dma_start3A_202 = tpu.memref_slice %arg7[%mul3A_197] : memref<10000xi32, #tpu.memory_space<vmem>> -> memref<80xi32, #tpu.memory_space<vmem>>
      %dma_start3A_203 = arith.constant 0 : i32
      %dma_start3A_204 = arith.constant 0 : i32
      %dma_start3A_205 = tpu.memref_slice %arg2[%dma_start3A_203, %dma_start3A_204] : memref<10000x128xf32, #tpu.memory_space<hbm>> -> memref<10000x128xf32, #tpu.memory_space<hbm>>
      tpu.enqueue_indirect_dma source(%dma_start3A_205 : memref<10000x128xf32, #tpu.memory_space<hbm>>) target(%dma_start3A_201 : memref<80x128xf32, #tpu.memory_space<vmem>>) offsets(%dma_start3A_202 : memref<80xi32, #tpu.memory_space<vmem>>) semaphore(%arg12 : memref<!tpu.dma_semaphore, #tpu.memory_space<semaphore_mem>>)
    }
    %scan3A_137 = arith.constant 123 : i32
    %dma_wait3A_138 = arith.constant 1 : i32
    %dma_wait3A_139 = arith.constant 0 : i32
    %dma_wait3A_140 = arith.constant 0 : i32
    %dma_wait3A_141 = tpu.memref_slice %arg9[%dma_wait3A_138, %dma_wait3A_139, %dma_wait3A_140] : memref<2x80x128xf32, #tpu.memory_space<vmem>> -> memref<1x80x128xf32, #tpu.memory_space<vmem>>
    %dma_wait3A_142 = tpu.memref_squeeze %dma_wait3A_141 : memref<1x80x128xf32, #tpu.memory_space<vmem>> -> memref<80x128xf32, #tpu.memory_space<vmem>>
    %dma_wait3A_143 = arith.constant 9840 : i32
    %dma_wait3A_144 = tpu.memref_slice %arg7[%dma_wait3A_143] : memref<10000xi32, #tpu.memory_space<vmem>> -> memref<80xi32, #tpu.memory_space<vmem>>
    %dma_wait3A_145 = arith.constant 0 : i32
    %dma_wait3A_146 = arith.constant 0 : i32
    %dma_wait3A_147 = tpu.memref_slice %arg2[%dma_wait3A_145, %dma_wait3A_146] : memref<10000x128xf32, #tpu.memory_space<hbm>> -> memref<10000x128xf32, #tpu.memory_space<hbm>>
    tpu.wait_indirect_dma semaphore(%arg12 : memref<!tpu.dma_semaphore, #tpu.memory_space<semaphore_mem>>) src(%dma_wait3A_147 : memref<10000x128xf32, #tpu.memory_space<hbm>>) dst(%dma_wait3A_142 : memref<80x128xf32, #tpu.memory_space<vmem>>)
    %run_scoped3A = arith.constant 1 : i32
    %run_scoped3A_148 = arith.constant 123 : i32
    "tpu.region"() ({
      %run_scoped3A_182 = tpu.sem_alloc : memref<!tpu.dma_semaphore, #tpu.memory_space<semaphore_mem>>
      %dma_start3A_183 = arith.constant 0 : i32
      %dma_start3A_184 = arith.constant 0 : i32
      %dma_start3A_185 = tpu.memref_slice %arg9[%run_scoped3A, %dma_start3A_183, %dma_start3A_184] : memref<2x80x128xf32, #tpu.memory_space<vmem>> -> memref<1x80x128xf32, #tpu.memory_space<vmem>>
      %dma_start3A_186 = tpu.memref_squeeze %dma_start3A_185 : memref<1x80x128xf32, #tpu.memory_space<vmem>> -> memref<80x128xf32, #tpu.memory_space<vmem>>
      %dma_start3A_187 = arith.constant 0 : i32
      %dma_start3A_188 = tpu.memref_slice %arg8[%run_scoped3A_148, %dma_start3A_187] : memref<125x80xi32, #tpu.memory_space<vmem>> -> memref<1x80xi32, #tpu.memory_space<vmem>>
      %dma_start3A_189 = tpu.memref_squeeze %dma_start3A_188 : memref<1x80xi32, #tpu.memory_space<vmem>> -> memref<80xi32, #tpu.memory_space<vmem>>
      %dma_start3A_190 = arith.constant 0 : i32
      %dma_start3A_191 = arith.constant 0 : i32
      %dma_start3A_192 = tpu.memref_slice %arg11[%dma_start3A_190, %dma_start3A_191] : memref<10000x128xf32, #tpu.memory_space<vmem_shared>> -> memref<10000x128xf32, #tpu.memory_space<vmem_shared>>
      tpu.enqueue_indirect_dma source(%dma_start3A_186 : memref<80x128xf32, #tpu.memory_space<vmem>>) target(%dma_start3A_192 : memref<10000x128xf32, #tpu.memory_space<vmem_shared>>) offsets(%dma_start3A_189 : memref<80xi32, #tpu.memory_space<vmem>>) semaphore(%run_scoped3A_182 : memref<!tpu.dma_semaphore, #tpu.memory_space<semaphore_mem>>) {add = true}
      %dma_wait3A_193 = arith.constant 0 : i32
      %dma_wait3A_194 = arith.constant 0 : i32
      %dma_wait3A_195 = tpu.memref_slice %arg9[%run_scoped3A, %dma_wait3A_193, %dma_wait3A_194] : memref<2x80x128xf32, #tpu.memory_space<vmem>> -> memref<1x80x128xf32, #tpu.memory_space<vmem>>
      %dma_wait3A_196 = tpu.memref_squeeze %dma_wait3A_195 : memref<1x80x128xf32, #tpu.memory_space<vmem>> -> memref<80x128xf32, #tpu.memory_space<vmem>>
      %dma_wait3A_197 = arith.constant 0 : i32
      %dma_wait3A_198 = tpu.memref_slice %arg8[%run_scoped3A_148, %dma_wait3A_197] : memref<125x80xi32, #tpu.memory_space<vmem>> -> memref<1x80xi32, #tpu.memory_space<vmem>>
      %dma_wait3A_199 = tpu.memref_squeeze %dma_wait3A_198 : memref<1x80xi32, #tpu.memory_space<vmem>> -> memref<80xi32, #tpu.memory_space<vmem>>
      %dma_wait3A_200 = arith.constant 0 : i32
      %dma_wait3A_201 = arith.constant 0 : i32
      %dma_wait3A_202 = tpu.memref_slice %arg11[%dma_wait3A_200, %dma_wait3A_201] : memref<10000x128xf32, #tpu.memory_space<vmem_shared>> -> memref<10000x128xf32, #tpu.memory_space<vmem_shared>>
      tpu.wait_indirect_dma semaphore(%run_scoped3A_182 : memref<!tpu.dma_semaphore, #tpu.memory_space<semaphore_mem>>) src(%dma_wait3A_196 : memref<80x128xf32, #tpu.memory_space<vmem>>) dst(%dma_wait3A_202 : memref<10000x128xf32, #tpu.memory_space<vmem_shared>>)
      tpu.yield
    }) : () -> ()
    %dma_wait3A_149 = arith.constant 0 : i32
    %dma_wait3A_150 = arith.constant 0 : i32
    %dma_wait3A_151 = arith.constant 0 : i32
    %dma_wait3A_152 = tpu.memref_slice %arg9[%dma_wait3A_149, %dma_wait3A_150, %dma_wait3A_151] : memref<2x80x128xf32, #tpu.memory_space<vmem>> -> memref<1x80x128xf32, #tpu.memory_space<vmem>>
    %dma_wait3A_153 = tpu.memref_squeeze %dma_wait3A_152 : memref<1x80x128xf32, #tpu.memory_space<vmem>> -> memref<80x128xf32, #tpu.memory_space<vmem>>
    %dma_wait3A_154 = arith.constant 9920 : i32
    %dma_wait3A_155 = tpu.memref_slice %arg7[%dma_wait3A_154] : memref<10000xi32, #tpu.memory_space<vmem>> -> memref<80xi32, #tpu.memory_space<vmem>>
    %dma_wait3A_156 = arith.constant 0 : i32
    %dma_wait3A_157 = arith.constant 0 : i32
    %dma_wait3A_158 = tpu.memref_slice %arg2[%dma_wait3A_156, %dma_wait3A_157] : memref<10000x128xf32, #tpu.memory_space<hbm>> -> memref<10000x128xf32, #tpu.memory_space<hbm>>
    tpu.wait_indirect_dma semaphore(%arg12 : memref<!tpu.dma_semaphore, #tpu.memory_space<semaphore_mem>>) src(%dma_wait3A_158 : memref<10000x128xf32, #tpu.memory_space<hbm>>) dst(%dma_wait3A_153 : memref<80x128xf32, #tpu.memory_space<vmem>>)
    %run_scoped3A_159 = arith.constant 0 : i32
    %run_scoped3A_160 = arith.constant 124 : i32
    "tpu.region"() ({
      %run_scoped3A_182 = tpu.sem_alloc : memref<!tpu.dma_semaphore, #tpu.memory_space<semaphore_mem>>
      %dma_start3A_183 = arith.constant 0 : i32
      %dma_start3A_184 = arith.constant 0 : i32
      %dma_start3A_185 = tpu.memref_slice %arg9[%run_scoped3A_159, %dma_start3A_183, %dma_start3A_184] : memref<2x80x128xf32, #tpu.memory_space<vmem>> -> memref<1x80x128xf32, #tpu.memory_space<vmem>>
      %dma_start3A_186 = tpu.memref_squeeze %dma_start3A_185 : memref<1x80x128xf32, #tpu.memory_space<vmem>> -> memref<80x128xf32, #tpu.memory_space<vmem>>
      %dma_start3A_187 = arith.constant 0 : i32
      %dma_start3A_188 = tpu.memref_slice %arg8[%run_scoped3A_160, %dma_start3A_187] : memref<125x80xi32, #tpu.memory_space<vmem>> -> memref<1x80xi32, #tpu.memory_space<vmem>>
      %dma_start3A_189 = tpu.memref_squeeze %dma_start3A_188 : memref<1x80xi32, #tpu.memory_space<vmem>> -> memref<80xi32, #tpu.memory_space<vmem>>
      %dma_start3A_190 = arith.constant 0 : i32
      %dma_start3A_191 = arith.constant 0 : i32
      %dma_start3A_192 = tpu.memref_slice %arg11[%dma_start3A_190, %dma_start3A_191] : memref<10000x128xf32, #tpu.memory_space<vmem_shared>> -> memref<10000x128xf32, #tpu.memory_space<vmem_shared>>
      tpu.enqueue_indirect_dma source(%dma_start3A_186 : memref<80x128xf32, #tpu.memory_space<vmem>>) target(%dma_start3A_192 : memref<10000x128xf32, #tpu.memory_space<vmem_shared>>) offsets(%dma_start3A_189 : memref<80xi32, #tpu.memory_space<vmem>>) semaphore(%run_scoped3A_182 : memref<!tpu.dma_semaphore, #tpu.memory_space<semaphore_mem>>) {add = true}
      %dma_wait3A_193 = arith.constant 0 : i32
      %dma_wait3A_194 = arith.constant 0 : i32
      %dma_wait3A_195 = tpu.memref_slice %arg9[%run_scoped3A_159, %dma_wait3A_193, %dma_wait3A_194] : memref<2x80x128xf32, #tpu.memory_space<vmem>> -> memref<1x80x128xf32, #tpu.memory_space<vmem>>
      %dma_wait3A_196 = tpu.memref_squeeze %dma_wait3A_195 : memref<1x80x128xf32, #tpu.memory_space<vmem>> -> memref<80x128xf32, #tpu.memory_space<vmem>>
      %dma_wait3A_197 = arith.constant 0 : i32
      %dma_wait3A_198 = tpu.memref_slice %arg8[%run_scoped3A_160, %dma_wait3A_197] : memref<125x80xi32, #tpu.memory_space<vmem>> -> memref<1x80xi32, #tpu.memory_space<vmem>>
      %dma_wait3A_199 = tpu.memref_squeeze %dma_wait3A_198 : memref<1x80xi32, #tpu.memory_space<vmem>> -> memref<80xi32, #tpu.memory_space<vmem>>
      %dma_wait3A_200 = arith.constant 0 : i32
      %dma_wait3A_201 = arith.constant 0 : i32
      %dma_wait3A_202 = tpu.memref_slice %arg11[%dma_wait3A_200, %dma_wait3A_201] : memref<10000x128xf32, #tpu.memory_space<vmem_shared>> -> memref<10000x128xf32, #tpu.memory_space<vmem_shared>>
      tpu.wait_indirect_dma semaphore(%run_scoped3A_182 : memref<!tpu.dma_semaphore, #tpu.memory_space<semaphore_mem>>) src(%dma_wait3A_196 : memref<80x128xf32, #tpu.memory_space<vmem>>) dst(%dma_wait3A_202 : memref<10000x128xf32, #tpu.memory_space<vmem_shared>>)
      tpu.yield
    }) : () -> ()
    %barrier3A_161 = arith.constant 0 : index
    tpu.barrier barrier_id(%barrier3A_161)
    %while3A_162 = arith.constant 0 : i32
    %while3A_163 = arith.constant 0 : i32
    %while3A_164 = arith.subi %select_n3A, %while3A_163 : i32
    %while3A_165 = arith.addi %while3A_163, %while3A_164 : i32
    %while3A_166 = arith.constant 1 : i32
    %while3A_167 = arith.divsi %while3A_164, %while3A_166 : i32
    %while3A_168 = arith.muli %while3A_167, %while3A_166 : i32
    %while3A_169 = arith.addi %while3A_163, %while3A_168 : i32
    %while3A_170 = arith.constant 1 : i32
    scf.for %while3A_182 = %while3A_163 to %while3A_169 step %while3A_170  : i32 {
      %mul3A_183 = arith.constant 16 : i32
      %mul3A_184 = arith.muli %while3A_182, %mul3A_183 : i32
      %add3A_185 = arith.addi %mul3A_34, %mul3A_184 : i32
      %dma_start3A_186 = arith.constant 0 : i32
      %dma_start3A_187 = tpu.memref_slice %arg5[%arg0, %add3A_185, %dma_start3A_186] : memref<2x10000x128xf32, #tpu.memory_space<hbm>> -> memref<1x16x128xf32, #tpu.memory_space<hbm>>
      %dma_start3A_188 = tpu.memref_squeeze %dma_start3A_187 : memref<1x16x128xf32, #tpu.memory_space<hbm>> -> memref<16x128xf32, #tpu.memory_space<hbm>>
      %dma_start3A_189 = arith.constant 0 : i32
      %dma_start3A_190 = tpu.memref_slice %arg11[%add3A_185, %dma_start3A_189] : memref<10000x128xf32, #tpu.memory_space<vmem_shared>> -> memref<16x128xf32, #tpu.memory_space<vmem_shared>>
      tpu.enqueue_dma source(%dma_start3A_190 : memref<16x128xf32, #tpu.memory_space<vmem_shared>>) target(%dma_start3A_188 : memref<16x128xf32, #tpu.memory_space<hbm>>) target_semaphore(%arg13 : memref<!tpu.dma_semaphore, #tpu.memory_space<semaphore_mem>>)
    }
    %while3A_171 = arith.constant 1 : i32
    scf.for %while3A_182 = %while3A_169 to %while3A_165 step %while3A_171  : i32 {
      %mul3A_183 = arith.constant 16 : i32
      %mul3A_184 = arith.muli %while3A_182, %mul3A_183 : i32
      %add3A_185 = arith.addi %mul3A_34, %mul3A_184 : i32
      %dma_start3A_186 = arith.constant 0 : i32
      %dma_start3A_187 = tpu.memref_slice %arg5[%arg0, %add3A_185, %dma_start3A_186] : memref<2x10000x128xf32, #tpu.memory_space<hbm>> -> memref<1x16x128xf32, #tpu.memory_space<hbm>>
      %dma_start3A_188 = tpu.memref_squeeze %dma_start3A_187 : memref<1x16x128xf32, #tpu.memory_space<hbm>> -> memref<16x128xf32, #tpu.memory_space<hbm>>
      %dma_start3A_189 = arith.constant 0 : i32
      %dma_start3A_190 = tpu.memref_slice %arg11[%add3A_185, %dma_start3A_189] : memref<10000x128xf32, #tpu.memory_space<vmem_shared>> -> memref<16x128xf32, #tpu.memory_space<vmem_shared>>
      tpu.enqueue_dma source(%dma_start3A_190 : memref<16x128xf32, #tpu.memory_space<vmem_shared>>) target(%dma_start3A_188 : memref<16x128xf32, #tpu.memory_space<hbm>>) target_semaphore(%arg13 : memref<!tpu.dma_semaphore, #tpu.memory_space<semaphore_mem>>)
    }
    %while3A_172 = arith.constant 0 : i32
    %while3A_173 = arith.constant 0 : i32
    %while3A_174 = arith.subi %select_n3A, %while3A_173 : i32
    %while3A_175 = arith.addi %while3A_173, %while3A_174 : i32
    %while3A_176 = arith.constant 1 : i32
    %while3A_177 = arith.divsi %while3A_174, %while3A_176 : i32
    %while3A_178 = arith.muli %while3A_177, %while3A_176 : i32
    %while3A_179 = arith.addi %while3A_173, %while3A_178 : i32
    %while3A_180 = arith.constant 1 : i32
    scf.for %while3A_182 = %while3A_173 to %while3A_179 step %while3A_180  : i32 {
      %dma_wait3A_183 = arith.constant 0 : i32
      %dma_wait3A_184 = tpu.memref_slice %arg5[%arg0, %mul3A_34, %dma_wait3A_183] : memref<2x10000x128xf32, #tpu.memory_space<hbm>> -> memref<1x16x128xf32, #tpu.memory_space<hbm>>
      %dma_wait3A_185 = tpu.memref_squeeze %dma_wait3A_184 : memref<1x16x128xf32, #tpu.memory_space<hbm>> -> memref<16x128xf32, #tpu.memory_space<hbm>>
      %dma_wait3A_186 = arith.constant 0 : i32
      %dma_wait3A_187 = tpu.memref_slice %arg11[%mul3A_34, %dma_wait3A_186] : memref<10000x128xf32, #tpu.memory_space<vmem_shared>> -> memref<16x128xf32, #tpu.memory_space<vmem_shared>>
      tpu.wait_dma2 semaphore(%arg13 : memref<!tpu.dma_semaphore, #tpu.memory_space<semaphore_mem>>) src(%dma_wait3A_187 : memref<16x128xf32, #tpu.memory_space<vmem_shared>>) dst(%dma_wait3A_185 : memref<16x128xf32, #tpu.memory_space<hbm>>)
    }
    %while3A_181 = arith.constant 1 : i32
    scf.for %while3A_182 = %while3A_179 to %while3A_175 step %while3A_181  : i32 {
      %dma_wait3A_183 = arith.constant 0 : i32
      %dma_wait3A_184 = tpu.memref_slice %arg5[%arg0, %mul3A_34, %dma_wait3A_183] : memref<2x10000x128xf32, #tpu.memory_space<hbm>> -> memref<1x16x128xf32, #tpu.memory_space<hbm>>
      %dma_wait3A_185 = tpu.memref_squeeze %dma_wait3A_184 : memref<1x16x128xf32, #tpu.memory_space<hbm>> -> memref<16x128xf32, #tpu.memory_space<hbm>>
      %dma_wait3A_186 = arith.constant 0 : i32
      %dma_wait3A_187 = tpu.memref_slice %arg11[%mul3A_34, %dma_wait3A_186] : memref<10000x128xf32, #tpu.memory_space<vmem_shared>> -> memref<16x128xf32, #tpu.memory_space<vmem_shared>>
      tpu.wait_dma2 semaphore(%arg13 : memref<!tpu.dma_semaphore, #tpu.memory_space<semaphore_mem>>) src(%dma_wait3A_187 : memref<16x128xf32, #tpu.memory_space<vmem_shared>>) dst(%dma_wait3A_185 : memref<16x128xf32, #tpu.memory_space<hbm>>)
    }
    return
  }
}

#map = affine_map<(d0, d1) -> (0, 0)>
#map1 = affine_map<(d0, d1) -> (0)>
#map2 = affine_map<(d0, d1) -> (0, 0, 0)>
module attributes {stable_mosaic.version = 14 : i64} {
  func.func @_seg_body(%arg0: i32, %arg1: i32, %arg2: memref<10000x128xf32, #tpu.memory_space<hbm>>, %arg3: memref<320000xi32, #tpu.memory_space<hbm>>, %arg4: memref<32x125x80xi32, #tpu.memory_space<hbm>>, %arg5: memref<2x10000x128xf32, #tpu.memory_space<hbm>>, %arg6: memref<10000xi32, #tpu.memory_space<vmem>>, %arg7: memref<125x80xi32, #tpu.memory_space<vmem>>, %arg8: memref<2x80x128xf32, #tpu.memory_space<vmem>>, %arg9: memref<16x128xf32, #tpu.memory_space<vmem>>, %arg10: memref<10000x128xf32, #tpu.memory_space<vmem_shared>>, %arg11: memref<!tpu.dma_semaphore, #tpu.memory_space<semaphore_mem>>, %arg12: memref<!tpu.dma_semaphore, #tpu.memory_space<semaphore_mem>>) attributes {dimension_semantics = [#tpu.dimension_semantics<core_parallel>, #tpu.dimension_semantics<subcore_parallel>], iteration_bounds = array<i64: 2, 16>, scalar_prefetch = 0 : i64, scratch_operands = 7 : i64, tpu.core_type = #tpu.core_type<sc_vector_subcore>, window_params = [{transform_indices = #map}, {transform_indices = #map1}, {transform_indices = #map2}, {transform_indices = #map2}]} {
    %mul3A = arith.constant 16 : i32
    %mul3A_0 = arith.muli %arg0, %mul3A : i32
    %add3A = arith.addi %mul3A_0, %arg1 : i32
    %mul3A_1 = arith.constant 10000 : i32
    %mul3A_2 = arith.muli %add3A, %mul3A_1 : i32
    %dma_start3A = tpu.memref_slice %arg3[%mul3A_2] : memref<320000xi32, #tpu.memory_space<hbm>> -> memref<10000xi32, #tpu.memory_space<hbm>>
    %dma_start3A_3 = tpu.memref_slice %arg3[%mul3A_2] : memref<320000xi32, #tpu.memory_space<hbm>> -> memref<10000xi32, #tpu.memory_space<hbm>>
    tpu.enqueue_dma source(%dma_start3A_3 : memref<10000xi32, #tpu.memory_space<hbm>>) target(%arg6 : memref<10000xi32, #tpu.memory_space<vmem>>) target_semaphore(%arg11 : memref<!tpu.dma_semaphore, #tpu.memory_space<semaphore_mem>>)
    %dma_start3A_4 = arith.constant 0 : i32
    %dma_start3A_5 = arith.constant 0 : i32
    %dma_start3A_6 = tpu.memref_slice %arg4[%add3A, %dma_start3A_4, %dma_start3A_5] : memref<32x125x80xi32, #tpu.memory_space<hbm>> -> memref<1x125x80xi32, #tpu.memory_space<hbm>>
    %dma_start3A_7 = tpu.memref_squeeze %dma_start3A_6 : memref<1x125x80xi32, #tpu.memory_space<hbm>> -> memref<125x80xi32, #tpu.memory_space<hbm>>
    %dma_start3A_8 = arith.constant 0 : i32
    %dma_start3A_9 = arith.constant 0 : i32
    %dma_start3A_10 = tpu.memref_slice %arg4[%add3A, %dma_start3A_8, %dma_start3A_9] : memref<32x125x80xi32, #tpu.memory_space<hbm>> -> memref<1x125x80xi32, #tpu.memory_space<hbm>>
    %dma_start3A_11 = tpu.memref_squeeze %dma_start3A_10 : memref<1x125x80xi32, #tpu.memory_space<hbm>> -> memref<125x80xi32, #tpu.memory_space<hbm>>
    tpu.enqueue_dma source(%dma_start3A_11 : memref<125x80xi32, #tpu.memory_space<hbm>>) target(%arg7 : memref<125x80xi32, #tpu.memory_space<vmem>>) target_semaphore(%arg12 : memref<!tpu.dma_semaphore, #tpu.memory_space<semaphore_mem>>)
    %scan3A = arith.constant 0 : i32
    %scan3A_12 = arith.constant 0 : i32
    %scan3A_13 = arith.constant 128 : i32
    %scan3A_14 = arith.addi %scan3A_12, %scan3A_13 : i32
    %scan3A_15 = arith.constant 1 : i32
    scf.for %scan3A_119 = %scan3A_12 to %scan3A_14 step %scan3A_15  : i32 {
      %jit3A_120 = arith.constant 8 : i32
      %div3A = arith.divsi %scan3A_119, %jit3A_120 : i32
      %sign3A = arith.constant 0 : i32
      %sign3A_121 = arith.cmpi sgt, %scan3A_119, %sign3A : i32
      %sign3A_122 = arith.extui %sign3A_121 : i1 to i32
      %sign3A_123 = arith.constant 0 : i32
      %sign3A_124 = arith.cmpi slt, %scan3A_119, %sign3A_123 : i32
      %sign3A_125 = arith.extui %sign3A_124 : i1 to i32
      %sign3A_126 = arith.subi %sign3A_122, %sign3A_125 : i32
      %sign3A_127 = arith.constant 0 : i32
      %sign3A_128 = arith.cmpi sgt, %jit3A_120, %sign3A_127 : i32
      %sign3A_129 = arith.extui %sign3A_128 : i1 to i32
      %sign3A_130 = arith.constant 0 : i32
      %sign3A_131 = arith.cmpi slt, %jit3A_120, %sign3A_130 : i32
      %sign3A_132 = arith.extui %sign3A_131 : i1 to i32
      %sign3A_133 = arith.subi %sign3A_129, %sign3A_132 : i32
      %ne3A = arith.cmpi ne, %sign3A_126, %sign3A_133 : i32
      %rem3A = arith.remsi %scan3A_119, %jit3A_120 : i32
      %ne3A_134 = arith.constant 0 : i32
      %ne3A_135 = arith.cmpi ne, %rem3A, %ne3A_134 : i32
      %and3A = arith.andi %ne3A, %ne3A_135 : i1
      %sub3A = arith.constant 1 : i32
      %sub3A_136 = arith.subi %div3A, %sub3A : i32
      %select_n3A_137 = arith.select %and3A, %sub3A_136, %div3A : i32
      %jit3A_138 = arith.constant 8 : i32
      %eq3A_139 = arith.constant 0 : i32
      %eq3A_140 = arith.cmpi eq, %jit3A_138, %eq3A_139 : i32
      %jit3A_141 = arith.constant 1 : i32
      %select_n3A_142 = arith.select %eq3A_140, %jit3A_141, %jit3A_138 : i32
      %rem3A_143 = arith.remsi %scan3A_119, %select_n3A_142 : i32
      %ne3A_144 = arith.constant 0 : i32
      %ne3A_145 = arith.cmpi ne, %rem3A_143, %ne3A_144 : i32
      %lt3A = arith.constant 0 : i32
      %lt3A_146 = arith.cmpi slt, %rem3A_143, %lt3A : i32
      %lt3A_147 = arith.constant 0 : i32
      %lt3A_148 = arith.cmpi slt, %select_n3A_142, %lt3A_147 : i32
      %ne3A_149 = arith.xori %lt3A_146, %lt3A_148 : i1
      %and3A_150 = arith.andi %ne3A_149, %ne3A_145 : i1
      %add3A_151 = arith.addi %rem3A_143, %select_n3A_142 : i32
      %select_n3A_152 = arith.select %and3A_150, %add3A_151, %rem3A_143 : i32
      %broadcast_in_dim3A = arith.constant 0.000000e+00 : f32
      %broadcast_in_dim3A_153 = vector.broadcast %broadcast_in_dim3A : f32 to vector<16xf32>
      %mul3A_154 = arith.constant 16 : i32
      %mul3A_155 = arith.muli %select_n3A_152, %mul3A_154 : i32
      %swap3A = arith.index_cast %select_n3A_137 : i32 to index
      %swap3A_156 = arith.index_cast %mul3A_155 : i32 to index
      %swap3A_157 = tpu.vector_load %arg9[%swap3A, %swap3A_156] {strides = array<i32>} : memref<16x128xf32, #tpu.memory_space<vmem>>, vector<1x16xf32>,
      %swap3A_158 = vector.shape_cast %swap3A_157 : vector<1x16xf32> to vector<16xf32>
      %swap3A_159 = vector.shape_cast %broadcast_in_dim3A_153 : vector<16xf32> to vector<1x16xf32>
      tpu.vector_store %arg9[%swap3A, %swap3A_156], %swap3A_159 {strides = array<i32>} : memref<16x128xf32, #tpu.memory_space<vmem>>, vector<1x16xf32>,
    }
    %scan3A_16 = arith.constant 128 : i32
    %dma_wait3A = tpu.memref_slice %arg3[%mul3A_2] : memref<320000xi32, #tpu.memory_space<hbm>> -> memref<10000xi32, #tpu.memory_space<hbm>>
    %dma_wait3A_17 = tpu.memref_slice %arg3[%mul3A_2] : memref<320000xi32, #tpu.memory_space<hbm>> -> memref<10000xi32, #tpu.memory_space<hbm>>
    tpu.wait_dma2 semaphore(%arg11 : memref<!tpu.dma_semaphore, #tpu.memory_space<semaphore_mem>>) src(%dma_wait3A_17 : memref<10000xi32, #tpu.memory_space<hbm>>) dst(%arg6 : memref<10000xi32, #tpu.memory_space<vmem>>)
    %dma_wait3A_18 = arith.constant 0 : i32
    %dma_wait3A_19 = arith.constant 0 : i32
    %dma_wait3A_20 = tpu.memref_slice %arg4[%add3A, %dma_wait3A_18, %dma_wait3A_19] : memref<32x125x80xi32, #tpu.memory_space<hbm>> -> memref<1x125x80xi32, #tpu.memory_space<hbm>>
    %dma_wait3A_21 = tpu.memref_squeeze %dma_wait3A_20 : memref<1x125x80xi32, #tpu.memory_space<hbm>> -> memref<125x80xi32, #tpu.memory_space<hbm>>
    %dma_wait3A_22 = arith.constant 0 : i32
    %dma_wait3A_23 = arith.constant 0 : i32
    %dma_wait3A_24 = tpu.memref_slice %arg4[%add3A, %dma_wait3A_22, %dma_wait3A_23] : memref<32x125x80xi32, #tpu.memory_space<hbm>> -> memref<1x125x80xi32, #tpu.memory_space<hbm>>
    %dma_wait3A_25 = tpu.memref_squeeze %dma_wait3A_24 : memref<1x125x80xi32, #tpu.memory_space<hbm>> -> memref<125x80xi32, #tpu.memory_space<hbm>>
    tpu.wait_dma2 semaphore(%arg12 : memref<!tpu.dma_semaphore, #tpu.memory_space<semaphore_mem>>) src(%dma_wait3A_25 : memref<125x80xi32, #tpu.memory_space<hbm>>) dst(%arg7 : memref<125x80xi32, #tpu.memory_space<vmem>>)
    %mul3A_26 = arith.constant 624 : i32
    %mul3A_27 = arith.muli %arg1, %mul3A_26 : i32
    %eq3A = arith.constant 15 : i32
    %eq3A_28 = arith.cmpi eq, %arg1, %eq3A : i32
    %jit3A = arith.constant 40 : i32
    %jit3A_29 = arith.constant 39 : i32
    %select_n3A = arith.select %eq3A_28, %jit3A, %jit3A_29 : i32
    %while3A = arith.constant 0 : i32
    %while3A_30 = arith.constant 0 : i32
    %while3A_31 = arith.subi %select_n3A, %while3A_30 : i32
    %while3A_32 = arith.addi %while3A_30, %while3A_31 : i32
    %while3A_33 = arith.constant 1 : i32
    %while3A_34 = arith.divsi %while3A_31, %while3A_33 : i32
    %while3A_35 = arith.muli %while3A_34, %while3A_33 : i32
    %while3A_36 = arith.addi %while3A_30, %while3A_35 : i32
    %while3A_37 = arith.constant 1 : i32
    scf.for %while3A_119 = %while3A_30 to %while3A_36 step %while3A_37  : i32 {
      %mul3A_120 = arith.constant 16 : i32
      %mul3A_121 = arith.muli %while3A_119, %mul3A_120 : i32
      %add3A_122 = arith.addi %mul3A_27, %mul3A_121 : i32
      %dma_start3A_123 = arith.constant 0 : i32
      %dma_start3A_124 = tpu.memref_slice %arg10[%add3A_122, %dma_start3A_123] : memref<10000x128xf32, #tpu.memory_space<vmem_shared>> -> memref<16x128xf32, #tpu.memory_space<vmem_shared>>
      %dma_start3A_125 = arith.constant 0 : i32
      %dma_start3A_126 = tpu.memref_slice %arg10[%add3A_122, %dma_start3A_125] : memref<10000x128xf32, #tpu.memory_space<vmem_shared>> -> memref<16x128xf32, #tpu.memory_space<vmem_shared>>
      tpu.enqueue_dma source(%arg9 : memref<16x128xf32, #tpu.memory_space<vmem>>) target(%dma_start3A_126 : memref<16x128xf32, #tpu.memory_space<vmem_shared>>) target_semaphore(%arg12 : memref<!tpu.dma_semaphore, #tpu.memory_space<semaphore_mem>>)
    }
    %while3A_38 = arith.constant 1 : i32
    scf.for %while3A_119 = %while3A_36 to %while3A_32 step %while3A_38  : i32 {
      %mul3A_120 = arith.constant 16 : i32
      %mul3A_121 = arith.muli %while3A_119, %mul3A_120 : i32
      %add3A_122 = arith.addi %mul3A_27, %mul3A_121 : i32
      %dma_start3A_123 = arith.constant 0 : i32
      %dma_start3A_124 = tpu.memref_slice %arg10[%add3A_122, %dma_start3A_123] : memref<10000x128xf32, #tpu.memory_space<vmem_shared>> -> memref<16x128xf32, #tpu.memory_space<vmem_shared>>
      %dma_start3A_125 = arith.constant 0 : i32
      %dma_start3A_126 = tpu.memref_slice %arg10[%add3A_122, %dma_start3A_125] : memref<10000x128xf32, #tpu.memory_space<vmem_shared>> -> memref<16x128xf32, #tpu.memory_space<vmem_shared>>
      tpu.enqueue_dma source(%arg9 : memref<16x128xf32, #tpu.memory_space<vmem>>) target(%dma_start3A_126 : memref<16x128xf32, #tpu.memory_space<vmem_shared>>) target_semaphore(%arg12 : memref<!tpu.dma_semaphore, #tpu.memory_space<semaphore_mem>>)
    }
    %while3A_39 = arith.constant 0 : i32
    %while3A_40 = arith.constant 0 : i32
    %while3A_41 = arith.subi %select_n3A, %while3A_40 : i32
    %while3A_42 = arith.addi %while3A_40, %while3A_41 : i32
    %while3A_43 = arith.constant 1 : i32
    %while3A_44 = arith.divsi %while3A_41, %while3A_43 : i32
    %while3A_45 = arith.muli %while3A_44, %while3A_43 : i32
    %while3A_46 = arith.addi %while3A_40, %while3A_45 : i32
    %while3A_47 = arith.constant 1 : i32
    scf.for %while3A_119 = %while3A_40 to %while3A_46 step %while3A_47  : i32 {
      %dma_wait3A_120 = arith.constant 0 : i32
      %dma_wait3A_121 = tpu.memref_slice %arg10[%mul3A_27, %dma_wait3A_120] : memref<10000x128xf32, #tpu.memory_space<vmem_shared>> -> memref<16x128xf32, #tpu.memory_space<vmem_shared>>
      %dma_wait3A_122 = arith.constant 0 : i32
      %dma_wait3A_123 = tpu.memref_slice %arg10[%mul3A_27, %dma_wait3A_122] : memref<10000x128xf32, #tpu.memory_space<vmem_shared>> -> memref<16x128xf32, #tpu.memory_space<vmem_shared>>
      tpu.wait_dma2 semaphore(%arg12 : memref<!tpu.dma_semaphore, #tpu.memory_space<semaphore_mem>>) src(%arg9 : memref<16x128xf32, #tpu.memory_space<vmem>>) dst(%dma_wait3A_123 : memref<16x128xf32, #tpu.memory_space<vmem_shared>>)
    }
    %while3A_48 = arith.constant 1 : i32
    scf.for %while3A_119 = %while3A_46 to %while3A_42 step %while3A_48  : i32 {
      %dma_wait3A_120 = arith.constant 0 : i32
      %dma_wait3A_121 = tpu.memref_slice %arg10[%mul3A_27, %dma_wait3A_120] : memref<10000x128xf32, #tpu.memory_space<vmem_shared>> -> memref<16x128xf32, #tpu.memory_space<vmem_shared>>
      %dma_wait3A_122 = arith.constant 0 : i32
      %dma_wait3A_123 = tpu.memref_slice %arg10[%mul3A_27, %dma_wait3A_122] : memref<10000x128xf32, #tpu.memory_space<vmem_shared>> -> memref<16x128xf32, #tpu.memory_space<vmem_shared>>
      tpu.wait_dma2 semaphore(%arg12 : memref<!tpu.dma_semaphore, #tpu.memory_space<semaphore_mem>>) src(%arg9 : memref<16x128xf32, #tpu.memory_space<vmem>>) dst(%dma_wait3A_123 : memref<16x128xf32, #tpu.memory_space<vmem_shared>>)
    }
    %barrier3A = arith.constant 0 : index
    tpu.barrier barrier_id(%barrier3A)
    %dma_start3A_49 = arith.constant 0 : i32
    %dma_start3A_50 = arith.constant 0 : i32
    %dma_start3A_51 = arith.constant 0 : i32
    %dma_start3A_52 = tpu.memref_slice %arg8[%dma_start3A_49, %dma_start3A_50, %dma_start3A_51] : memref<2x80x128xf32, #tpu.memory_space<vmem>> -> memref<1x80x128xf32, #tpu.memory_space<vmem>>
    %dma_start3A_53 = tpu.memref_squeeze %dma_start3A_52 : memref<1x80x128xf32, #tpu.memory_space<vmem>> -> memref<80x128xf32, #tpu.memory_space<vmem>>
    %dma_start3A_54 = arith.constant 0 : i32
    %dma_start3A_55 = tpu.memref_slice %arg6[%dma_start3A_54] : memref<10000xi32, #tpu.memory_space<vmem>> -> memref<80xi32, #tpu.memory_space<vmem>>
    %dma_start3A_56 = arith.constant 0 : i32
    %dma_start3A_57 = arith.constant 0 : i32
    %dma_start3A_58 = tpu.memref_slice %arg2[%dma_start3A_56, %dma_start3A_57] : memref<10000x128xf32, #tpu.memory_space<hbm>> -> memref<10000x128xf32, #tpu.memory_space<hbm>>
    tpu.enqueue_indirect_dma source(%dma_start3A_58 : memref<10000x128xf32, #tpu.memory_space<hbm>>) target(%dma_start3A_53 : memref<80x128xf32, #tpu.memory_space<vmem>>) offsets(%dma_start3A_55 : memref<80xi32, #tpu.memory_space<vmem>>) semaphore(%arg11 : memref<!tpu.dma_semaphore, #tpu.memory_space<semaphore_mem>>)
    %dma_start3A_59 = arith.constant 1 : i32
    %dma_start3A_60 = arith.constant 0 : i32
    %dma_start3A_61 = arith.constant 0 : i32
    %dma_start3A_62 = tpu.memref_slice %arg8[%dma_start3A_59, %dma_start3A_60, %dma_start3A_61] : memref<2x80x128xf32, #tpu.memory_space<vmem>> -> memref<1x80x128xf32, #tpu.memory_space<vmem>>
    %dma_start3A_63 = tpu.memref_squeeze %dma_start3A_62 : memref<1x80x128xf32, #tpu.memory_space<vmem>> -> memref<80x128xf32, #tpu.memory_space<vmem>>
    %dma_start3A_64 = arith.constant 80 : i32
    %dma_start3A_65 = tpu.memref_slice %arg6[%dma_start3A_64] : memref<10000xi32, #tpu.memory_space<vmem>> -> memref<80xi32, #tpu.memory_space<vmem>>
    %dma_start3A_66 = arith.constant 0 : i32
    %dma_start3A_67 = arith.constant 0 : i32
    %dma_start3A_68 = tpu.memref_slice %arg2[%dma_start3A_66, %dma_start3A_67] : memref<10000x128xf32, #tpu.memory_space<hbm>> -> memref<10000x128xf32, #tpu.memory_space<hbm>>
    tpu.enqueue_indirect_dma source(%dma_start3A_68 : memref<10000x128xf32, #tpu.memory_space<hbm>>) target(%dma_start3A_63 : memref<80x128xf32, #tpu.memory_space<vmem>>) offsets(%dma_start3A_65 : memref<80xi32, #tpu.memory_space<vmem>>) semaphore(%arg11 : memref<!tpu.dma_semaphore, #tpu.memory_space<semaphore_mem>>)
    %scan3A_69 = arith.constant 0 : i32
    %scan3A_70 = arith.constant 0 : i32
    %scan3A_71 = arith.constant 123 : i32
    %scan3A_72 = arith.addi %scan3A_70, %scan3A_71 : i32
    %scan3A_73 = arith.constant 1 : i32
    scf.for %scan3A_119 = %scan3A_70 to %scan3A_72 step %scan3A_73  : i32 {
      %rem3A = arith.constant 2 : i32
      %rem3A_120 = arith.remsi %scan3A_119, %rem3A : i32
      %mul3A_121 = arith.constant 80 : i32
      %mul3A_122 = arith.muli %scan3A_119, %mul3A_121 : i32
      %dma_wait3A_123 = arith.constant 0 : i32
      %dma_wait3A_124 = arith.constant 0 : i32
      %dma_wait3A_125 = tpu.memref_slice %arg8[%rem3A_120, %dma_wait3A_123, %dma_wait3A_124] : memref<2x80x128xf32, #tpu.memory_space<vmem>> -> memref<1x80x128xf32, #tpu.memory_space<vmem>>
      %dma_wait3A_126 = tpu.memref_squeeze %dma_wait3A_125 : memref<1x80x128xf32, #tpu.memory_space<vmem>> -> memref<80x128xf32, #tpu.memory_space<vmem>>
      %dma_wait3A_127 = tpu.memref_slice %arg6[%mul3A_122] : memref<10000xi32, #tpu.memory_space<vmem>> -> memref<80xi32, #tpu.memory_space<vmem>>
      %dma_wait3A_128 = arith.constant 0 : i32
      %dma_wait3A_129 = arith.constant 0 : i32
      %dma_wait3A_130 = tpu.memref_slice %arg2[%dma_wait3A_128, %dma_wait3A_129] : memref<10000x128xf32, #tpu.memory_space<hbm>> -> memref<10000x128xf32, #tpu.memory_space<hbm>>
      tpu.wait_indirect_dma semaphore(%arg11 : memref<!tpu.dma_semaphore, #tpu.memory_space<semaphore_mem>>) src(%dma_wait3A_130 : memref<10000x128xf32, #tpu.memory_space<hbm>>) dst(%dma_wait3A_126 : memref<80x128xf32, #tpu.memory_space<vmem>>)
      "tpu.region"() ({
        %run_scoped3A_143 = tpu.sem_alloc : memref<!tpu.dma_semaphore, #tpu.memory_space<semaphore_mem>>
        %dma_start3A_144 = arith.constant 0 : i32
        %dma_start3A_145 = arith.constant 0 : i32
        %dma_start3A_146 = tpu.memref_slice %arg8[%rem3A_120, %dma_start3A_144, %dma_start3A_145] : memref<2x80x128xf32, #tpu.memory_space<vmem>> -> memref<1x80x128xf32, #tpu.memory_space<vmem>>
        %dma_start3A_147 = tpu.memref_squeeze %dma_start3A_146 : memref<1x80x128xf32, #tpu.memory_space<vmem>> -> memref<80x128xf32, #tpu.memory_space<vmem>>
        %dma_start3A_148 = arith.constant 0 : i32
        %dma_start3A_149 = tpu.memref_slice %arg7[%scan3A_119, %dma_start3A_148] : memref<125x80xi32, #tpu.memory_space<vmem>> -> memref<1x80xi32, #tpu.memory_space<vmem>>
        %dma_start3A_150 = tpu.memref_squeeze %dma_start3A_149 : memref<1x80xi32, #tpu.memory_space<vmem>> -> memref<80xi32, #tpu.memory_space<vmem>>
        %dma_start3A_151 = arith.constant 0 : i32
        %dma_start3A_152 = arith.constant 0 : i32
        %dma_start3A_153 = tpu.memref_slice %arg10[%dma_start3A_151, %dma_start3A_152] : memref<10000x128xf32, #tpu.memory_space<vmem_shared>> -> memref<10000x128xf32, #tpu.memory_space<vmem_shared>>
        tpu.enqueue_indirect_dma source(%dma_start3A_147 : memref<80x128xf32, #tpu.memory_space<vmem>>) target(%dma_start3A_153 : memref<10000x128xf32, #tpu.memory_space<vmem_shared>>) offsets(%dma_start3A_150 : memref<80xi32, #tpu.memory_space<vmem>>) semaphore(%run_scoped3A_143 : memref<!tpu.dma_semaphore, #tpu.memory_space<semaphore_mem>>) {add = true}
        %dma_wait3A_154 = arith.constant 0 : i32
        %dma_wait3A_155 = arith.constant 0 : i32
        %dma_wait3A_156 = tpu.memref_slice %arg8[%rem3A_120, %dma_wait3A_154, %dma_wait3A_155] : memref<2x80x128xf32, #tpu.memory_space<vmem>> -> memref<1x80x128xf32, #tpu.memory_space<vmem>>
        %dma_wait3A_157 = tpu.memref_squeeze %dma_wait3A_156 : memref<1x80x128xf32, #tpu.memory_space<vmem>> -> memref<80x128xf32, #tpu.memory_space<vmem>>
        %dma_wait3A_158 = arith.constant 0 : i32
        %dma_wait3A_159 = tpu.memref_slice %arg7[%scan3A_119, %dma_wait3A_158] : memref<125x80xi32, #tpu.memory_space<vmem>> -> memref<1x80xi32, #tpu.memory_space<vmem>>
        %dma_wait3A_160 = tpu.memref_squeeze %dma_wait3A_159 : memref<1x80xi32, #tpu.memory_space<vmem>> -> memref<80xi32, #tpu.memory_space<vmem>>
        %dma_wait3A_161 = arith.constant 0 : i32
        %dma_wait3A_162 = arith.constant 0 : i32
        %dma_wait3A_163 = tpu.memref_slice %arg10[%dma_wait3A_161, %dma_wait3A_162] : memref<10000x128xf32, #tpu.memory_space<vmem_shared>> -> memref<10000x128xf32, #tpu.memory_space<vmem_shared>>
        tpu.wait_indirect_dma semaphore(%run_scoped3A_143 : memref<!tpu.dma_semaphore, #tpu.memory_space<semaphore_mem>>) src(%dma_wait3A_157 : memref<80x128xf32, #tpu.memory_space<vmem>>) dst(%dma_wait3A_163 : memref<10000x128xf32, #tpu.memory_space<vmem_shared>>)
        tpu.yield
      }) : () -> ()
      %add3A_131 = arith.constant 2 : i32
      %add3A_132 = arith.addi %scan3A_119, %add3A_131 : i32
      %mul3A_133 = arith.constant 80 : i32
      %mul3A_134 = arith.muli %add3A_132, %mul3A_133 : i32
      %dma_start3A_135 = arith.constant 0 : i32
      %dma_start3A_136 = arith.constant 0 : i32
      %dma_start3A_137 = tpu.memref_slice %arg8[%rem3A_120, %dma_start3A_135, %dma_start3A_136] : memref<2x80x128xf32, #tpu.memory_space<vmem>> -> memref<1x80x128xf32, #tpu.memory_space<vmem>>
      %dma_start3A_138 = tpu.memref_squeeze %dma_start3A_137 : memref<1x80x128xf32, #tpu.memory_space<vmem>> -> memref<80x128xf32, #tpu.memory_space<vmem>>
      %dma_start3A_139 = tpu.memref_slice %arg6[%mul3A_134] : memref<10000xi32, #tpu.memory_space<vmem>> -> memref<80xi32, #tpu.memory_space<vmem>>
      %dma_start3A_140 = arith.constant 0 : i32
      %dma_start3A_141 = arith.constant 0 : i32
      %dma_start3A_142 = tpu.memref_slice %arg2[%dma_start3A_140, %dma_start3A_141] : memref<10000x128xf32, #tpu.memory_space<hbm>> -> memref<10000x128xf32, #tpu.memory_space<hbm>>
      tpu.enqueue_indirect_dma source(%dma_start3A_142 : memref<10000x128xf32, #tpu.memory_space<hbm>>) target(%dma_start3A_138 : memref<80x128xf32, #tpu.memory_space<vmem>>) offsets(%dma_start3A_139 : memref<80xi32, #tpu.memory_space<vmem>>) semaphore(%arg11 : memref<!tpu.dma_semaphore, #tpu.memory_space<semaphore_mem>>)
    }
    %scan3A_74 = arith.constant 123 : i32
    %dma_wait3A_75 = arith.constant 1 : i32
    %dma_wait3A_76 = arith.constant 0 : i32
    %dma_wait3A_77 = arith.constant 0 : i32
    %dma_wait3A_78 = tpu.memref_slice %arg8[%dma_wait3A_75, %dma_wait3A_76, %dma_wait3A_77] : memref<2x80x128xf32, #tpu.memory_space<vmem>> -> memref<1x80x128xf32, #tpu.memory_space<vmem>>
    %dma_wait3A_79 = tpu.memref_squeeze %dma_wait3A_78 : memref<1x80x128xf32, #tpu.memory_space<vmem>> -> memref<80x128xf32, #tpu.memory_space<vmem>>
    %dma_wait3A_80 = arith.constant 9840 : i32
    %dma_wait3A_81 = tpu.memref_slice %arg6[%dma_wait3A_80] : memref<10000xi32, #tpu.memory_space<vmem>> -> memref<80xi32, #tpu.memory_space<vmem>>
    %dma_wait3A_82 = arith.constant 0 : i32
    %dma_wait3A_83 = arith.constant 0 : i32
    %dma_wait3A_84 = tpu.memref_slice %arg2[%dma_wait3A_82, %dma_wait3A_83] : memref<10000x128xf32, #tpu.memory_space<hbm>> -> memref<10000x128xf32, #tpu.memory_space<hbm>>
    tpu.wait_indirect_dma semaphore(%arg11 : memref<!tpu.dma_semaphore, #tpu.memory_space<semaphore_mem>>) src(%dma_wait3A_84 : memref<10000x128xf32, #tpu.memory_space<hbm>>) dst(%dma_wait3A_79 : memref<80x128xf32, #tpu.memory_space<vmem>>)
    %run_scoped3A = arith.constant 1 : i32
    %run_scoped3A_85 = arith.constant 123 : i32
    "tpu.region"() ({
      %run_scoped3A_119 = tpu.sem_alloc : memref<!tpu.dma_semaphore, #tpu.memory_space<semaphore_mem>>
      %dma_start3A_120 = arith.constant 0 : i32
      %dma_start3A_121 = arith.constant 0 : i32
      %dma_start3A_122 = tpu.memref_slice %arg8[%run_scoped3A, %dma_start3A_120, %dma_start3A_121] : memref<2x80x128xf32, #tpu.memory_space<vmem>> -> memref<1x80x128xf32, #tpu.memory_space<vmem>>
      %dma_start3A_123 = tpu.memref_squeeze %dma_start3A_122 : memref<1x80x128xf32, #tpu.memory_space<vmem>> -> memref<80x128xf32, #tpu.memory_space<vmem>>
      %dma_start3A_124 = arith.constant 0 : i32
      %dma_start3A_125 = tpu.memref_slice %arg7[%run_scoped3A_85, %dma_start3A_124] : memref<125x80xi32, #tpu.memory_space<vmem>> -> memref<1x80xi32, #tpu.memory_space<vmem>>
      %dma_start3A_126 = tpu.memref_squeeze %dma_start3A_125 : memref<1x80xi32, #tpu.memory_space<vmem>> -> memref<80xi32, #tpu.memory_space<vmem>>
      %dma_start3A_127 = arith.constant 0 : i32
      %dma_start3A_128 = arith.constant 0 : i32
      %dma_start3A_129 = tpu.memref_slice %arg10[%dma_start3A_127, %dma_start3A_128] : memref<10000x128xf32, #tpu.memory_space<vmem_shared>> -> memref<10000x128xf32, #tpu.memory_space<vmem_shared>>
      tpu.enqueue_indirect_dma source(%dma_start3A_123 : memref<80x128xf32, #tpu.memory_space<vmem>>) target(%dma_start3A_129 : memref<10000x128xf32, #tpu.memory_space<vmem_shared>>) offsets(%dma_start3A_126 : memref<80xi32, #tpu.memory_space<vmem>>) semaphore(%run_scoped3A_119 : memref<!tpu.dma_semaphore, #tpu.memory_space<semaphore_mem>>) {add = true}
      %dma_wait3A_130 = arith.constant 0 : i32
      %dma_wait3A_131 = arith.constant 0 : i32
      %dma_wait3A_132 = tpu.memref_slice %arg8[%run_scoped3A, %dma_wait3A_130, %dma_wait3A_131] : memref<2x80x128xf32, #tpu.memory_space<vmem>> -> memref<1x80x128xf32, #tpu.memory_space<vmem>>
      %dma_wait3A_133 = tpu.memref_squeeze %dma_wait3A_132 : memref<1x80x128xf32, #tpu.memory_space<vmem>> -> memref<80x128xf32, #tpu.memory_space<vmem>>
      %dma_wait3A_134 = arith.constant 0 : i32
      %dma_wait3A_135 = tpu.memref_slice %arg7[%run_scoped3A_85, %dma_wait3A_134] : memref<125x80xi32, #tpu.memory_space<vmem>> -> memref<1x80xi32, #tpu.memory_space<vmem>>
      %dma_wait3A_136 = tpu.memref_squeeze %dma_wait3A_135 : memref<1x80xi32, #tpu.memory_space<vmem>> -> memref<80xi32, #tpu.memory_space<vmem>>
      %dma_wait3A_137 = arith.constant 0 : i32
      %dma_wait3A_138 = arith.constant 0 : i32
      %dma_wait3A_139 = tpu.memref_slice %arg10[%dma_wait3A_137, %dma_wait3A_138] : memref<10000x128xf32, #tpu.memory_space<vmem_shared>> -> memref<10000x128xf32, #tpu.memory_space<vmem_shared>>
      tpu.wait_indirect_dma semaphore(%run_scoped3A_119 : memref<!tpu.dma_semaphore, #tpu.memory_space<semaphore_mem>>) src(%dma_wait3A_133 : memref<80x128xf32, #tpu.memory_space<vmem>>) dst(%dma_wait3A_139 : memref<10000x128xf32, #tpu.memory_space<vmem_shared>>)
      tpu.yield
    }) : () -> ()
    %dma_wait3A_86 = arith.constant 0 : i32
    %dma_wait3A_87 = arith.constant 0 : i32
    %dma_wait3A_88 = arith.constant 0 : i32
    %dma_wait3A_89 = tpu.memref_slice %arg8[%dma_wait3A_86, %dma_wait3A_87, %dma_wait3A_88] : memref<2x80x128xf32, #tpu.memory_space<vmem>> -> memref<1x80x128xf32, #tpu.memory_space<vmem>>
    %dma_wait3A_90 = tpu.memref_squeeze %dma_wait3A_89 : memref<1x80x128xf32, #tpu.memory_space<vmem>> -> memref<80x128xf32, #tpu.memory_space<vmem>>
    %dma_wait3A_91 = arith.constant 9920 : i32
    %dma_wait3A_92 = tpu.memref_slice %arg6[%dma_wait3A_91] : memref<10000xi32, #tpu.memory_space<vmem>> -> memref<80xi32, #tpu.memory_space<vmem>>
    %dma_wait3A_93 = arith.constant 0 : i32
    %dma_wait3A_94 = arith.constant 0 : i32
    %dma_wait3A_95 = tpu.memref_slice %arg2[%dma_wait3A_93, %dma_wait3A_94] : memref<10000x128xf32, #tpu.memory_space<hbm>> -> memref<10000x128xf32, #tpu.memory_space<hbm>>
    tpu.wait_indirect_dma semaphore(%arg11 : memref<!tpu.dma_semaphore, #tpu.memory_space<semaphore_mem>>) src(%dma_wait3A_95 : memref<10000x128xf32, #tpu.memory_space<hbm>>) dst(%dma_wait3A_90 : memref<80x128xf32, #tpu.memory_space<vmem>>)
    %run_scoped3A_96 = arith.constant 0 : i32
    %run_scoped3A_97 = arith.constant 124 : i32
    "tpu.region"() ({
      %run_scoped3A_119 = tpu.sem_alloc : memref<!tpu.dma_semaphore, #tpu.memory_space<semaphore_mem>>
      %dma_start3A_120 = arith.constant 0 : i32
      %dma_start3A_121 = arith.constant 0 : i32
      %dma_start3A_122 = tpu.memref_slice %arg8[%run_scoped3A_96, %dma_start3A_120, %dma_start3A_121] : memref<2x80x128xf32, #tpu.memory_space<vmem>> -> memref<1x80x128xf32, #tpu.memory_space<vmem>>
      %dma_start3A_123 = tpu.memref_squeeze %dma_start3A_122 : memref<1x80x128xf32, #tpu.memory_space<vmem>> -> memref<80x128xf32, #tpu.memory_space<vmem>>
      %dma_start3A_124 = arith.constant 0 : i32
      %dma_start3A_125 = tpu.memref_slice %arg7[%run_scoped3A_97, %dma_start3A_124] : memref<125x80xi32, #tpu.memory_space<vmem>> -> memref<1x80xi32, #tpu.memory_space<vmem>>
      %dma_start3A_126 = tpu.memref_squeeze %dma_start3A_125 : memref<1x80xi32, #tpu.memory_space<vmem>> -> memref<80xi32, #tpu.memory_space<vmem>>
      %dma_start3A_127 = arith.constant 0 : i32
      %dma_start3A_128 = arith.constant 0 : i32
      %dma_start3A_129 = tpu.memref_slice %arg10[%dma_start3A_127, %dma_start3A_128] : memref<10000x128xf32, #tpu.memory_space<vmem_shared>> -> memref<10000x128xf32, #tpu.memory_space<vmem_shared>>
      tpu.enqueue_indirect_dma source(%dma_start3A_123 : memref<80x128xf32, #tpu.memory_space<vmem>>) target(%dma_start3A_129 : memref<10000x128xf32, #tpu.memory_space<vmem_shared>>) offsets(%dma_start3A_126 : memref<80xi32, #tpu.memory_space<vmem>>) semaphore(%run_scoped3A_119 : memref<!tpu.dma_semaphore, #tpu.memory_space<semaphore_mem>>) {add = true}
      %dma_wait3A_130 = arith.constant 0 : i32
      %dma_wait3A_131 = arith.constant 0 : i32
      %dma_wait3A_132 = tpu.memref_slice %arg8[%run_scoped3A_96, %dma_wait3A_130, %dma_wait3A_131] : memref<2x80x128xf32, #tpu.memory_space<vmem>> -> memref<1x80x128xf32, #tpu.memory_space<vmem>>
      %dma_wait3A_133 = tpu.memref_squeeze %dma_wait3A_132 : memref<1x80x128xf32, #tpu.memory_space<vmem>> -> memref<80x128xf32, #tpu.memory_space<vmem>>
      %dma_wait3A_134 = arith.constant 0 : i32
      %dma_wait3A_135 = tpu.memref_slice %arg7[%run_scoped3A_97, %dma_wait3A_134] : memref<125x80xi32, #tpu.memory_space<vmem>> -> memref<1x80xi32, #tpu.memory_space<vmem>>
      %dma_wait3A_136 = tpu.memref_squeeze %dma_wait3A_135 : memref<1x80xi32, #tpu.memory_space<vmem>> -> memref<80xi32, #tpu.memory_space<vmem>>
      %dma_wait3A_137 = arith.constant 0 : i32
      %dma_wait3A_138 = arith.constant 0 : i32
      %dma_wait3A_139 = tpu.memref_slice %arg10[%dma_wait3A_137, %dma_wait3A_138] : memref<10000x128xf32, #tpu.memory_space<vmem_shared>> -> memref<10000x128xf32, #tpu.memory_space<vmem_shared>>
      tpu.wait_indirect_dma semaphore(%run_scoped3A_119 : memref<!tpu.dma_semaphore, #tpu.memory_space<semaphore_mem>>) src(%dma_wait3A_133 : memref<80x128xf32, #tpu.memory_space<vmem>>) dst(%dma_wait3A_139 : memref<10000x128xf32, #tpu.memory_space<vmem_shared>>)
      tpu.yield
    }) : () -> ()
    %barrier3A_98 = arith.constant 0 : index
    tpu.barrier barrier_id(%barrier3A_98)
    %while3A_99 = arith.constant 0 : i32
    %while3A_100 = arith.constant 0 : i32
    %while3A_101 = arith.subi %select_n3A, %while3A_100 : i32
    %while3A_102 = arith.addi %while3A_100, %while3A_101 : i32
    %while3A_103 = arith.constant 1 : i32
    %while3A_104 = arith.divsi %while3A_101, %while3A_103 : i32
    %while3A_105 = arith.muli %while3A_104, %while3A_103 : i32
    %while3A_106 = arith.addi %while3A_100, %while3A_105 : i32
    %while3A_107 = arith.constant 1 : i32
    scf.for %while3A_119 = %while3A_100 to %while3A_106 step %while3A_107  : i32 {
      %mul3A_120 = arith.constant 16 : i32
      %mul3A_121 = arith.muli %while3A_119, %mul3A_120 : i32
      %add3A_122 = arith.addi %mul3A_27, %mul3A_121 : i32
      %dma_start3A_123 = arith.constant 0 : i32
      %dma_start3A_124 = tpu.memref_slice %arg5[%arg0, %add3A_122, %dma_start3A_123] : memref<2x10000x128xf32, #tpu.memory_space<hbm>> -> memref<1x16x128xf32, #tpu.memory_space<hbm>>
      %dma_start3A_125 = tpu.memref_squeeze %dma_start3A_124 : memref<1x16x128xf32, #tpu.memory_space<hbm>> -> memref<16x128xf32, #tpu.memory_space<hbm>>
      %dma_start3A_126 = arith.constant 0 : i32
      %dma_start3A_127 = tpu.memref_slice %arg10[%add3A_122, %dma_start3A_126] : memref<10000x128xf32, #tpu.memory_space<vmem_shared>> -> memref<16x128xf32, #tpu.memory_space<vmem_shared>>
      tpu.enqueue_dma source(%dma_start3A_127 : memref<16x128xf32, #tpu.memory_space<vmem_shared>>) target(%dma_start3A_125 : memref<16x128xf32, #tpu.memory_space<hbm>>) target_semaphore(%arg12 : memref<!tpu.dma_semaphore, #tpu.memory_space<semaphore_mem>>)
    }
    %while3A_108 = arith.constant 1 : i32
    scf.for %while3A_119 = %while3A_106 to %while3A_102 step %while3A_108  : i32 {
      %mul3A_120 = arith.constant 16 : i32
      %mul3A_121 = arith.muli %while3A_119, %mul3A_120 : i32
      %add3A_122 = arith.addi %mul3A_27, %mul3A_121 : i32
      %dma_start3A_123 = arith.constant 0 : i32
      %dma_start3A_124 = tpu.memref_slice %arg5[%arg0, %add3A_122, %dma_start3A_123] : memref<2x10000x128xf32, #tpu.memory_space<hbm>> -> memref<1x16x128xf32, #tpu.memory_space<hbm>>
      %dma_start3A_125 = tpu.memref_squeeze %dma_start3A_124 : memref<1x16x128xf32, #tpu.memory_space<hbm>> -> memref<16x128xf32, #tpu.memory_space<hbm>>
      %dma_start3A_126 = arith.constant 0 : i32
      %dma_start3A_127 = tpu.memref_slice %arg10[%add3A_122, %dma_start3A_126] : memref<10000x128xf32, #tpu.memory_space<vmem_shared>> -> memref<16x128xf32, #tpu.memory_space<vmem_shared>>
      tpu.enqueue_dma source(%dma_start3A_127 : memref<16x128xf32, #tpu.memory_space<vmem_shared>>) target(%dma_start3A_125 : memref<16x128xf32, #tpu.memory_space<hbm>>) target_semaphore(%arg12 : memref<!tpu.dma_semaphore, #tpu.memory_space<semaphore_mem>>)
    }
    %while3A_109 = arith.constant 0 : i32
    %while3A_110 = arith.constant 0 : i32
    %while3A_111 = arith.subi %select_n3A, %while3A_110 : i32
    %while3A_112 = arith.addi %while3A_110, %while3A_111 : i32
    %while3A_113 = arith.constant 1 : i32
    %while3A_114 = arith.divsi %while3A_111, %while3A_113 : i32
    %while3A_115 = arith.muli %while3A_114, %while3A_113 : i32
    %while3A_116 = arith.addi %while3A_110, %while3A_115 : i32
    %while3A_117 = arith.constant 1 : i32
    scf.for %while3A_119 = %while3A_110 to %while3A_116 step %while3A_117  : i32 {
      %dma_wait3A_120 = arith.constant 0 : i32
      %dma_wait3A_121 = tpu.memref_slice %arg5[%arg0, %mul3A_27, %dma_wait3A_120] : memref<2x10000x128xf32, #tpu.memory_space<hbm>> -> memref<1x16x128xf32, #tpu.memory_space<hbm>>
      %dma_wait3A_122 = tpu.memref_squeeze %dma_wait3A_121 : memref<1x16x128xf32, #tpu.memory_space<hbm>> -> memref<16x128xf32, #tpu.memory_space<hbm>>
      %dma_wait3A_123 = arith.constant 0 : i32
      %dma_wait3A_124 = tpu.memref_slice %arg10[%mul3A_27, %dma_wait3A_123] : memref<10000x128xf32, #tpu.memory_space<vmem_shared>> -> memref<16x128xf32, #tpu.memory_space<vmem_shared>>
      tpu.wait_dma2 semaphore(%arg12 : memref<!tpu.dma_semaphore, #tpu.memory_space<semaphore_mem>>) src(%dma_wait3A_124 : memref<16x128xf32, #tpu.memory_space<vmem_shared>>) dst(%dma_wait3A_122 : memref<16x128xf32, #tpu.memory_space<hbm>>)
    }
    %while3A_118 = arith.constant 1 : i32
    scf.for %while3A_119 = %while3A_116 to %while3A_112 step %while3A_118  : i32 {
      %dma_wait3A_120 = arith.constant 0 : i32
      %dma_wait3A_121 = tpu.memref_slice %arg5[%arg0, %mul3A_27, %dma_wait3A_120] : memref<2x10000x128xf32, #tpu.memory_space<hbm>> -> memref<1x16x128xf32, #tpu.memory_space<hbm>>
      %dma_wait3A_122 = tpu.memref_squeeze %dma_wait3A_121 : memref<1x16x128xf32, #tpu.memory_space<hbm>> -> memref<16x128xf32, #tpu.memory_space<hbm>>
      %dma_wait3A_123 = arith.constant 0 : i32
      %dma_wait3A_124 = tpu.memref_slice %arg10[%mul3A_27, %dma_wait3A_123] : memref<10000x128xf32, #tpu.memory_space<vmem_shared>> -> memref<16x128xf32, #tpu.memory_space<vmem_shared>>
      tpu.wait_dma2 semaphore(%arg12 : memref<!tpu.dma_semaphore, #tpu.memory_space<semaphore_mem>>) src(%dma_wait3A_124 : memref<16x128xf32, #tpu.memory_space<vmem_shared>>) dst(%dma_wait3A_122 : memref<16x128xf32, #tpu.memory_space<hbm>>)
    }
    return
  }
}

module attributes {stable_mosaic.version = 14 : i64} {
  func.func @_tc1_body(%arg0: i32, %arg1: memref<2000x128xf32, #tpu.memory_space<vmem>>, %arg2: memref<128x128xf32, #tpu.memory_space<vmem>>, %arg3: memref<128x128xf32, #tpu.memory_space<vmem>>, %arg4: memref<1x128xf32, #tpu.memory_space<vmem>>, %arg5: memref<2000x128xf32, #tpu.memory_space<vmem>>, %arg6: memref<2000x128xf32, #tpu.memory_space<vmem>>) attributes {dimension_semantics = [#tpu.dimension_semantics<arbitrary>], iteration_bounds = array<i64: 5>, scalar_prefetch = 0 : i64, scratch_operands = 0 : i64, tpu.core_type = #tpu.core_type<tc>, window_params = [{transform_indices = @transform_0, window_bounds = array<i64: 2000, 128>}, {pipeline_mode = #tpu.pipeline_mode<synchronous>, transform_indices = @transform_1, window_bounds = array<i64: 128, 128>}, {pipeline_mode = #tpu.pipeline_mode<synchronous>, transform_indices = @transform_2, window_bounds = array<i64: 128, 128>}, {pipeline_mode = #tpu.pipeline_mode<synchronous>, transform_indices = @transform_3, window_bounds = array<i64: 1, 128>}, {transform_indices = @transform_4, window_bounds = array<i64: 2000, 128>}, {transform_indices = @transform_5, window_bounds = array<i64: 2000, 128>}]} {
    %get3A = arith.constant 0 : index
    %get3A_0 = arith.constant 0 : index
    %get3A_1 = vector.load %arg1[%get3A, %get3A_0] : memref<2000x128xf32, #tpu.memory_space<vmem>>, vector<2000x128xf32>
    %get3A_2 = arith.constant 0 : index
    %get3A_3 = arith.constant 0 : index
    %get3A_4 = vector.load %arg2[%get3A_2, %get3A_3] : memref<128x128xf32, #tpu.memory_space<vmem>>, vector<128x128xf32>
    %dot_general3A = arith.constant dense<0.000000e+00> : vector<2000x128xf32>
    %dot_general3A_5 = tpu.matmul %get3A_1, %get3A_4, %dot_general3A {dimension_numbers = #tpu.dot_dimension_numbers<[1], [0], [0], [1], [0, 0, 1, 1], [], []>, transpose_lhs_hint = false} : vector<2000x128xf32>, vector<128x128xf32>, vector<2000x128xf32> -> vector<2000x128xf32>
    %swap3A = arith.constant 0 : index
    %swap3A_6 = arith.constant 0 : index
    %swap3A_7 = vector.load %arg5[%swap3A, %swap3A_6] : memref<2000x128xf32, #tpu.memory_space<vmem>>, vector<2000x128xf32>
    tpu.vector_store %arg5[%swap3A, %swap3A_6], %dot_general3A_5 {strides = array<i32>} : memref<2000x128xf32, #tpu.memory_space<vmem>>, vector<2000x128xf32>,
    %get3A_8 = arith.constant 0 : index
    %get3A_9 = arith.constant 0 : index
    %get3A_10 = vector.load %arg3[%get3A_8, %get3A_9] : memref<128x128xf32, #tpu.memory_space<vmem>>, vector<128x128xf32>
    %dot_general3A_11 = arith.constant dense<0.000000e+00> : vector<2000x128xf32>
    %dot_general3A_12 = tpu.matmul %get3A_1, %get3A_10, %dot_general3A_11 {dimension_numbers = #tpu.dot_dimension_numbers<[1], [0], [0], [1], [0, 0, 1, 1], [], []>, transpose_lhs_hint = false} : vector<2000x128xf32>, vector<128x128xf32>, vector<2000x128xf32> -> vector<2000x128xf32>
    %get3A_13 = arith.constant 0 : index
    %get3A_14 = arith.constant 0 : index
    %get3A_15 = vector.load %arg4[%get3A_13, %get3A_14] : memref<1x128xf32, #tpu.memory_space<vmem>>, vector<1x128xf32>
    %add3A = vector.broadcast %get3A_15 : vector<1x128xf32> to vector<2000x128xf32>
    %add3A_16 = arith.addf %dot_general3A_12, %add3A : vector<2000x128xf32>
    %swap3A_17 = arith.constant 0 : index
    %swap3A_18 = arith.constant 0 : index
    %swap3A_19 = vector.load %arg6[%swap3A_17, %swap3A_18] : memref<2000x128xf32, #tpu.memory_space<vmem>>, vector<2000x128xf32>
    tpu.vector_store %arg6[%swap3A_17, %swap3A_18], %add3A_16 {strides = array<i32>} : memref<2000x128xf32, #tpu.memory_space<vmem>>, vector<2000x128xf32>,
    return
  }
  func.func @transform_0(%arg0: i32) -> (i32, i32) {
    %c0_i32 = arith.constant 0 : i32
    %c0_i32_0 = arith.constant 0 : i32
    return %arg0, %c0_i32 : i32, i32
  }
  func.func @transform_1(%arg0: i32) -> (i32, i32) {
    %c0_i32 = arith.constant 0 : i32
    %c0_i32_0 = arith.constant 0 : i32
    %c0_i32_1 = arith.constant 0 : i32
    return %c0_i32, %c0_i32_0 : i32, i32
  }
  func.func @transform_2(%arg0: i32) -> (i32, i32) {
    %c0_i32 = arith.constant 0 : i32
    %c0_i32_0 = arith.constant 0 : i32
    %c0_i32_1 = arith.constant 0 : i32
    return %c0_i32, %c0_i32_0 : i32, i32
  }
  func.func @transform_3(%arg0: i32) -> (i32, i32) {
    %c0_i32 = arith.constant 0 : i32
    %c0_i32_0 = arith.constant 0 : i32
    %c0_i32_1 = arith.constant 0 : i32
    return %c0_i32, %c0_i32_0 : i32, i32
  }
  func.func @transform_4(%arg0: i32) -> (i32, i32) {
    %c0_i32 = arith.constant 0 : i32
    %c0_i32_0 = arith.constant 0 : i32
    return %arg0, %c0_i32 : i32, i32
  }
  func.func @transform_5(%arg0: i32) -> (i32, i32) {
    %c0_i32 = arith.constant 0 : i32
    %c0_i32_0 = arith.constant 0 : i32
    return %arg0, %c0_i32 : i32, i32
  }
}

module attributes {stable_mosaic.version = 14 : i64} {
  func.func @_tc2_body(%arg0: i32, %arg1: memref<2000x128xf32, #tpu.memory_space<vmem>>, %arg2: memref<2000x128xf32, #tpu.memory_space<vmem>>, %arg3: memref<2000x128xf32, #tpu.memory_space<vmem>>, %arg4: memref<2000x128xf32, #tpu.memory_space<vmem>>, %arg5: memref<2000x128xf32, #tpu.memory_space<vmem>>, %arg6: memref<128x128xf32, #tpu.memory_space<vmem>>, %arg7: memref<128x128xf32, #tpu.memory_space<vmem>>, %arg8: memref<1x128xf32, #tpu.memory_space<vmem>>, %arg9: memref<2000x128xf32, #tpu.memory_space<vmem>>, %arg10: memref<2000x128xf32, #tpu.memory_space<vmem>>) attributes {dimension_semantics = [#tpu.dimension_semantics<arbitrary>], iteration_bounds = array<i64: 5>, scalar_prefetch = 0 : i64, scratch_operands = 0 : i64, tpu.core_type = #tpu.core_type<tc>, window_params = [{transform_indices = @transform_0, window_bounds = array<i64: 2000, 128>}, {transform_indices = @transform_1, window_bounds = array<i64: 2000, 128>}, {transform_indices = @transform_2, window_bounds = array<i64: 2000, 128>}, {transform_indices = @transform_3, window_bounds = array<i64: 2000, 128>}, {transform_indices = @transform_4, window_bounds = array<i64: 2000, 128>}, {pipeline_mode = #tpu.pipeline_mode<synchronous>, transform_indices = @transform_5, window_bounds = array<i64: 128, 128>}, {pipeline_mode = #tpu.pipeline_mode<synchronous>, transform_indices = @transform_6, window_bounds = array<i64: 128, 128>}, {pipeline_mode = #tpu.pipeline_mode<synchronous>, transform_indices = @transform_7, window_bounds = array<i64: 1, 128>}, {transform_indices = @transform_8, window_bounds = array<i64: 2000, 128>}, {transform_indices = @transform_9, window_bounds = array<i64: 2000, 128>}]} {
    %get3A = arith.constant 0 : index
    %get3A_0 = arith.constant 0 : index
    %get3A_1 = vector.load %arg3[%get3A, %get3A_0] : memref<2000x128xf32, #tpu.memory_space<vmem>>, vector<2000x128xf32>
    %get3A_2 = arith.constant 0 : index
    %get3A_3 = arith.constant 0 : index
    %get3A_4 = vector.load %arg4[%get3A_2, %get3A_3] : memref<2000x128xf32, #tpu.memory_space<vmem>>, vector<2000x128xf32>
    %add3A = arith.addf %get3A_1, %get3A_4 : vector<2000x128xf32>
    %max3A = arith.constant 1.000000e+00 : f32
    %max3A_5 = vector.broadcast %max3A : f32 to vector<2000x128xf32>
    %max3A_6 = arith.maximumf %add3A, %max3A_5 : vector<2000x128xf32>
    %div3A = arith.constant 1.000000e+00 : f32
    %div3A_7 = vector.broadcast %div3A : f32 to vector<2000x128xf32>
    %div3A_8 = arith.divf %div3A_7, %max3A_6 : vector<2000x128xf32>
    %get3A_9 = arith.constant 0 : index
    %get3A_10 = arith.constant 0 : index
    %get3A_11 = vector.load %arg1[%get3A_9, %get3A_10] : memref<2000x128xf32, #tpu.memory_space<vmem>>, vector<2000x128xf32>
    %get3A_12 = arith.constant 0 : index
    %get3A_13 = arith.constant 0 : index
    %get3A_14 = vector.load %arg2[%get3A_12, %get3A_13] : memref<2000x128xf32, #tpu.memory_space<vmem>>, vector<2000x128xf32>
    %add3A_15 = arith.addf %get3A_11, %get3A_14 : vector<2000x128xf32>
    %mul3A = arith.mulf %add3A_15, %div3A_8 : vector<2000x128xf32>
    %get3A_16 = arith.constant 0 : index
    %get3A_17 = arith.constant 0 : index
    %get3A_18 = vector.load %arg5[%get3A_16, %get3A_17] : memref<2000x128xf32, #tpu.memory_space<vmem>>, vector<2000x128xf32>
    %add3A_19 = arith.addf %mul3A, %get3A_18 : vector<2000x128xf32>
    %logistic3A = arith.negf %add3A_19 : vector<2000x128xf32>
    %logistic3A_20 = math.exp %logistic3A : vector<2000x128xf32>
    %logistic3A_21 = arith.constant 1.000000e+00 : f32
    %logistic3A_22 = vector.broadcast %logistic3A_21 : f32 to vector<2000x128xf32>
    %logistic3A_23 = arith.addf %logistic3A_22, %logistic3A_20 : vector<2000x128xf32>
    %logistic3A_24 = arith.divf %logistic3A_22, %logistic3A_23 : vector<2000x128xf32>
    %get3A_25 = arith.constant 0 : index
    %get3A_26 = arith.constant 0 : index
    %get3A_27 = vector.load %arg6[%get3A_25, %get3A_26] : memref<128x128xf32, #tpu.memory_space<vmem>>, vector<128x128xf32>
    %dot_general3A = arith.constant dense<0.000000e+00> : vector<2000x128xf32>
    %dot_general3A_28 = tpu.matmul %logistic3A_24, %get3A_27, %dot_general3A {dimension_numbers = #tpu.dot_dimension_numbers<[1], [0], [0], [1], [0, 0, 1, 1], [], []>, transpose_lhs_hint = false} : vector<2000x128xf32>, vector<128x128xf32>, vector<2000x128xf32> -> vector<2000x128xf32>
    %swap3A = arith.constant 0 : index
    %swap3A_29 = arith.constant 0 : index
    %swap3A_30 = vector.load %arg9[%swap3A, %swap3A_29] : memref<2000x128xf32, #tpu.memory_space<vmem>>, vector<2000x128xf32>
    tpu.vector_store %arg9[%swap3A, %swap3A_29], %dot_general3A_28 {strides = array<i32>} : memref<2000x128xf32, #tpu.memory_space<vmem>>, vector<2000x128xf32>,
    %get3A_31 = arith.constant 0 : index
    %get3A_32 = arith.constant 0 : index
    %get3A_33 = vector.load %arg7[%get3A_31, %get3A_32] : memref<128x128xf32, #tpu.memory_space<vmem>>, vector<128x128xf32>
    %dot_general3A_34 = arith.constant dense<0.000000e+00> : vector<2000x128xf32>
    %dot_general3A_35 = tpu.matmul %logistic3A_24, %get3A_33, %dot_general3A_34 {dimension_numbers = #tpu.dot_dimension_numbers<[1], [0], [0], [1], [0, 0, 1, 1], [], []>, transpose_lhs_hint = false} : vector<2000x128xf32>, vector<128x128xf32>, vector<2000x128xf32> -> vector<2000x128xf32>
    %get3A_36 = arith.constant 0 : index
    %get3A_37 = arith.constant 0 : index
    %get3A_38 = vector.load %arg8[%get3A_36, %get3A_37] : memref<1x128xf32, #tpu.memory_space<vmem>>, vector<1x128xf32>
    %add3A_39 = vector.broadcast %get3A_38 : vector<1x128xf32> to vector<2000x128xf32>
    %add3A_40 = arith.addf %dot_general3A_35, %add3A_39 : vector<2000x128xf32>
    %swap3A_41 = arith.constant 0 : index
    %swap3A_42 = arith.constant 0 : index
    %swap3A_43 = vector.load %arg10[%swap3A_41, %swap3A_42] : memref<2000x128xf32, #tpu.memory_space<vmem>>, vector<2000x128xf32>
    tpu.vector_store %arg10[%swap3A_41, %swap3A_42], %add3A_40 {strides = array<i32>} : memref<2000x128xf32, #tpu.memory_space<vmem>>, vector<2000x128xf32>,
    return
  }
  func.func @transform_0(%arg0: i32) -> (i32, i32) {
    %c0_i32 = arith.constant 0 : i32
    %c0_i32_0 = arith.constant 0 : i32
    return %arg0, %c0_i32 : i32, i32
  }
  func.func @transform_1(%arg0: i32) -> (i32, i32) {
    %c0_i32 = arith.constant 0 : i32
    %c0_i32_0 = arith.constant 0 : i32
    return %arg0, %c0_i32 : i32, i32
  }
  func.func @transform_2(%arg0: i32) -> (i32, i32) {
    %c0_i32 = arith.constant 0 : i32
    %c0_i32_0 = arith.constant 0 : i32
    return %arg0, %c0_i32 : i32, i32
  }
  func.func @transform_3(%arg0: i32) -> (i32, i32) {
    %c0_i32 = arith.constant 0 : i32
    %c0_i32_0 = arith.constant 0 : i32
    return %arg0, %c0_i32 : i32, i32
  }
  func.func @transform_4(%arg0: i32) -> (i32, i32) {
    %c0_i32 = arith.constant 0 : i32
    %c0_i32_0 = arith.constant 0 : i32
    return %arg0, %c0_i32 : i32, i32
  }
  func.func @transform_5(%arg0: i32) -> (i32, i32) {
    %c0_i32 = arith.constant 0 : i32
    %c0_i32_0 = arith.constant 0 : i32
    %c0_i32_1 = arith.constant 0 : i32
    return %c0_i32, %c0_i32_0 : i32, i32
  }
  func.func @transform_6(%arg0: i32) -> (i32, i32) {
    %c0_i32 = arith.constant 0 : i32
    %c0_i32_0 = arith.constant 0 : i32
    %c0_i32_1 = arith.constant 0 : i32
    return %c0_i32, %c0_i32_0 : i32, i32
  }
  func.func @transform_7(%arg0: i32) -> (i32, i32) {
    %c0_i32 = arith.constant 0 : i32
    %c0_i32_0 = arith.constant 0 : i32
    %c0_i32_1 = arith.constant 0 : i32
    return %c0_i32, %c0_i32_0 : i32, i32
  }
  func.func @transform_8(%arg0: i32) -> (i32, i32) {
    %c0_i32 = arith.constant 0 : i32
    %c0_i32_0 = arith.constant 0 : i32
    return %arg0, %c0_i32 : i32, i32
  }
  func.func @transform_9(%arg0: i32) -> (i32, i32) {
    %c0_i32 = arith.constant 0 : i32
    %c0_i32_0 = arith.constant 0 : i32
    return %arg0, %c0_i32 : i32, i32
  }
}

module attributes {stable_mosaic.version = 14 : i64} {
  func.func @_tc3_body(%arg0: i32, %arg1: memref<2000x128xf32, #tpu.memory_space<vmem>>, %arg2: memref<2000x128xf32, #tpu.memory_space<vmem>>, %arg3: memref<2000x128xf32, #tpu.memory_space<vmem>>, %arg4: memref<2000x128xf32, #tpu.memory_space<vmem>>, %arg5: memref<2000x128xf32, #tpu.memory_space<vmem>>, %arg6: memref<2000x128xf32, #tpu.memory_space<vmem>>) attributes {dimension_semantics = [#tpu.dimension_semantics<arbitrary>], iteration_bounds = array<i64: 5>, scalar_prefetch = 0 : i64, scratch_operands = 0 : i64, tpu.core_type = #tpu.core_type<tc>, window_params = [{transform_indices = @transform_0, window_bounds = array<i64: 2000, 128>}, {transform_indices = @transform_1, window_bounds = array<i64: 2000, 128>}, {transform_indices = @transform_2, window_bounds = array<i64: 2000, 128>}, {transform_indices = @transform_3, window_bounds = array<i64: 2000, 128>}, {transform_indices = @transform_4, window_bounds = array<i64: 2000, 128>}, {transform_indices = @transform_5, window_bounds = array<i64: 2000, 128>}]} {
    %get3A = arith.constant 0 : index
    %get3A_0 = arith.constant 0 : index
    %get3A_1 = vector.load %arg3[%get3A, %get3A_0] : memref<2000x128xf32, #tpu.memory_space<vmem>>, vector<2000x128xf32>
    %get3A_2 = arith.constant 0 : index
    %get3A_3 = arith.constant 0 : index
    %get3A_4 = vector.load %arg4[%get3A_2, %get3A_3] : memref<2000x128xf32, #tpu.memory_space<vmem>>, vector<2000x128xf32>
    %add3A = arith.addf %get3A_1, %get3A_4 : vector<2000x128xf32>
    %max3A = arith.constant 1.000000e+00 : f32
    %max3A_5 = vector.broadcast %max3A : f32 to vector<2000x128xf32>
    %max3A_6 = arith.maximumf %add3A, %max3A_5 : vector<2000x128xf32>
    %div3A = arith.constant 1.000000e+00 : f32
    %div3A_7 = vector.broadcast %div3A : f32 to vector<2000x128xf32>
    %div3A_8 = arith.divf %div3A_7, %max3A_6 : vector<2000x128xf32>
    %get3A_9 = arith.constant 0 : index
    %get3A_10 = arith.constant 0 : index
    %get3A_11 = vector.load %arg1[%get3A_9, %get3A_10] : memref<2000x128xf32, #tpu.memory_space<vmem>>, vector<2000x128xf32>
    %get3A_12 = arith.constant 0 : index
    %get3A_13 = arith.constant 0 : index
    %get3A_14 = vector.load %arg2[%get3A_12, %get3A_13] : memref<2000x128xf32, #tpu.memory_space<vmem>>, vector<2000x128xf32>
    %add3A_15 = arith.addf %get3A_11, %get3A_14 : vector<2000x128xf32>
    %mul3A = arith.mulf %add3A_15, %div3A_8 : vector<2000x128xf32>
    %get3A_16 = arith.constant 0 : index
    %get3A_17 = arith.constant 0 : index
    %get3A_18 = vector.load %arg5[%get3A_16, %get3A_17] : memref<2000x128xf32, #tpu.memory_space<vmem>>, vector<2000x128xf32>
    %add3A_19 = arith.addf %mul3A, %get3A_18 : vector<2000x128xf32>
    %swap3A = arith.constant 0 : index
    %swap3A_20 = arith.constant 0 : index
    %swap3A_21 = vector.load %arg6[%swap3A, %swap3A_20] : memref<2000x128xf32, #tpu.memory_space<vmem>>, vector<2000x128xf32>
    tpu.vector_store %arg6[%swap3A, %swap3A_20], %add3A_19 {strides = array<i32>} : memref<2000x128xf32, #tpu.memory_space<vmem>>, vector<2000x128xf32>,
    return
  }
  func.func @transform_0(%arg0: i32) -> (i32, i32) {
    %c0_i32 = arith.constant 0 : i32
    %c0_i32_0 = arith.constant 0 : i32
    return %arg0, %c0_i32 : i32, i32
  }
  func.func @transform_1(%arg0: i32) -> (i32, i32) {
    %c0_i32 = arith.constant 0 : i32
    %c0_i32_0 = arith.constant 0 : i32
    return %arg0, %c0_i32 : i32, i32
  }
  func.func @transform_2(%arg0: i32) -> (i32, i32) {
    %c0_i32 = arith.constant 0 : i32
    %c0_i32_0 = arith.constant 0 : i32
    return %arg0, %c0_i32 : i32, i32
  }
  func.func @transform_3(%arg0: i32) -> (i32, i32) {
    %c0_i32 = arith.constant 0 : i32
    %c0_i32_0 = arith.constant 0 : i32
    return %arg0, %c0_i32 : i32, i32
  }
  func.func @transform_4(%arg0: i32) -> (i32, i32) {
    %c0_i32 = arith.constant 0 : i32
    %c0_i32_0 = arith.constant 0 : i32
    return %arg0, %c0_i32 : i32, i32
  }
  func.func @transform_5(%arg0: i32) -> (i32, i32) {
    %c0_i32 = arith.constant 0 : i32
    %c0_i32_0 = arith.constant 0 : i32
    return %arg0, %c0_i32 : i32, i32
  }
}

</mosaic_0001>

<sc_bundles>
// kernel: kernel.10.cloned.1.call-start
scs
__scs_entry_jumppad:
0x0: {  	(pc) =	sbr.rel $0x88, $3  }
0x1: {  	(tag) =	ssettag $0x0;
	lr =	simm.s32 $0x1  }
0x2: {  	[smem:$0x3F99] =	sst lr;
	_ =	strace $0xD0000000  }
0x3: {  	_ = 	snop  }
0x4: {  	_ = 	snop  }
0x5: {  	_ = 	snop  }
0x6: {  	_ = 	snop  }
0x7: {  	_ = 	snop  }
__scs_overlays_trampoline_lowered:
0x8: {  	[smem:$0x3FA8] =	sst s0  }
0x9: {  	[smem:$0x3FA9] =	sst s1  }
0xa: {  	[smem:$0x3FAA] =	sst s2  }
0xb: {  	[smem:$0x3FAB] =	sst s3  }
0xc: {  	[smem:$0x3FAC] =	sst s4  }
0xd: {  	[smem:$0x3FAD] =	sst s5  }
0xe: {  	[smem:$0x3FAE] =	sst s6  }
0xf: {  	[smem:$0x3FAF] =	sst s7  }
0x10: {  	[smem:$0x3FB0] =	sst s8  }
0x11: {  	[smem:$0x3FB1] =	sst s9;
	s0 =	simm.s32 @!p0 $0x0  }
0x12: {  	s1 =	sld [smem:$0x3F97];
	s0 =	simm.s32 @p0 $0x1  }
0x13: {  	[smem:$0x3FB2] =	sst s0;
	s0 =	simm.s32 @!p1 $0x0  }
0x14: {  	s2 =	sld [smem:$0x3F96];
	s0 =	simm.s32 @p1 $0x1  }
0x15: {  	[smem:$0x3FB3] =	sst s0;
	s0 =	simm.s32 @!p2 $0x0  }
0x16: {  	s3 =	sld [smem:$0x3FDB];
	s0 =	simm.s32 @p2 $0x1  }
0x17: {  	s4 =	simm.s32 $0x1BF5;
	[smem:$0x3FB5] =	sst s0  }
0x18: {  	s0 =	sld [smem:$0x3F98];
	_ =	swait.ge [sflag:s4], $0x0  }
0x19: {  	s7 =	sld [smem:$0x3F99]  }
0x1a: {  	s8 =	sadd.s32 $0xFFFFE003, lr  }
0x1b: {  	s9 =	sadd.s32 $0xFFFFFEF7, lr;
	s5 =	simm.s32 $0xFFFFFFFF;
	p2 =	slt.u32 s8, $0xFFFFF086  }
0x1c: {  	p1 =	slt.u32 s9, $0xF7A;
	s5 =	simm.s32 @!p2 $0x0  }
0x1d: {  	s5 =	simm.s32 @p1 $0x1;
	p0 =	seq.s32 s7, s2  }
0x1e: {  	s7 =	smul.u32 @!p0 $0xF7A, s2;
	p2 =	seq.s32 @!p0 s5, $0x0  }
0x1f: {  	s9 =	smul.u32 $0xF7A, s1;
	s8 =	simm.s32 @!p0 $0x1BF5;
	p2 =	por !p2, p0  }
0x20: {  	[sflag:s8] =	ssyncset.s32 @!p0 $0xFFFFF086;
	s6 =	sadd.s32 @!p0 s3, s7;
	s7 =	simm.s32 @!p0 $0x108  }
0x21: {  	s3 =	sadd.s32 s3, s9;
	s6 =	sadd.s32 @!p0 $0x88, s6;
	s7 =	simm.s32 @p2 $0x1082  }
0x22: {  	[simem:s7], [sflag:s8] =	dma.local @!p0 [hbm:s6], $0xF7A  }
0x23: {  	s9 =	sor.u32 $0xD0000000, s2;
	s6 =	simm.s32 $0x108;
	_ =	swait.ge @!p0 [sflag:s8], $0x0  }
0x24: {  	s3 =	sadd.s32 $0x88, s3;
	s6 =	simm.s32 @!p1 $0x1082;
	[sflag:s4] =	ssyncset.s32 $0xFFFFF086  }
0x25: {  	[simem:s6], [sflag:s4] =	dma.local [hbm:s3], $0xF7A  }
0x26: {  	[smem:$0x3F99] =	sst s1;
	(tag) =	ssettag s2;
	_ =	strace s9  }
0x27: {  	s1 =	sld [smem:$0x3FA9]  }
0x28: {  	s2 =	sld [smem:$0x3FAA]  }
0x29: {  	s4 =	sld [smem:$0x3FAC]  }
0x2a: {  	p0 =	seq.s32 s5, $0x0;
	s5 =	sld [smem:$0x3FAD]  }
0x2b: {  	s6 =	sld [smem:$0x3FAE]  }
0x2c: {  	s7 =	sld [smem:$0x3FAF]  }
0x2d: {  	s3 =	simm.s32 $0x108;
	s8 =	sld [smem:$0x3FB0]  }
0x2e: {  	s3 =	simm.s32 @!p0 $0x1082;
	s9 =	sld [smem:$0x3FB1]  }
0x2f: {  	lr =	sadd.s32 s0, s3;
	s0 =	sld [smem:$0x3FA8]  }
0x30: {  	s3 =	sld [smem:$0x3FAB]  }
0x31: {  	[smem:$0x3FB4] =	sst s10  }
0x32: {  	s10 =	sld [smem:$0x3FB2];
	_ =	sdelay $0x3  }
0x33: {  	p0 =	seq.s32 s10, $0x1;
	s10 =	sld [smem:$0x3FB4];
	_ =	sdelay $0x3  }
0x34: {  	[smem:$0x3FB4] =	sst s10  }
0x35: {  	s10 =	sld [smem:$0x3FB3];
	_ =	sdelay $0x3  }
0x36: {  	p1 =	seq.s32 s10, $0x1;
	s10 =	sld [smem:$0x3FB4];
	_ =	sdelay $0x3  }
0x37: {  	[smem:$0x3FB4] =	sst s10  }
0x38: {  	s10 =	sld [smem:$0x3FB5]  }
0x39: {  	_ = 	snop;
	(pc) =	sbr.ind lr, $3  }
0x3a: {  	_ = 	snop  }
0x3b: {  	_ = 	snop  }
0x3c: {  	p2 =	seq.s32 s10, $0x1;
	s10 =	sld [smem:$0x3FB4]  }
0x3d: {  	_ =	shalt  }
0x3e: {  	_ =	shalt  }
0x3f: {  	_ =	shalt  }
0x40: {  	_ =	shalt  }
0x41: {  	_ =	shalt  }
0x42: {  	_ =	shalt  }
0x43: {  	_ =	shalt  }
0x44: {  	_ =	shalt  }
0x45: {  	_ =	shalt  }
0x46: {  	_ =	shalt  }
0x47: {  	_ =	shalt  }
0x48: {  	_ =	shalt  }
0x49: {  	_ =	shalt  }
0x4a: {  	_ =	shalt  }
0x4b: {  	_ =	shalt  }
0x4c: {  	_ =	shalt  }
0x4d: {  	_ =	shalt  }
0x4e: {  	_ =	shalt  }
0x4f: {  	_ =	shalt  }
0x50: {  	_ =	shalt  }
0x51: {  	_ =	shalt  }
0x52: {  	_ =	shalt  }
0x53: {  	_ =	shalt  }
0x54: {  	_ =	shalt  }
0x55: {  	_ =	shalt  }
0x56: {  	_ =	shalt  }
0x57: {  	_ =	shalt  }
0x58: {  	_ =	shalt  }
0x59: {  	_ =	shalt  }
0x5a: {  	_ =	shalt  }
0x5b: {  	_ =	shalt  }
0x5c: {  	_ =	shalt  }
0x5d: {  	_ =	shalt  }
0x5e: {  	_ =	shalt  }
0x5f: {  	_ =	shalt  }
0x60: {  	_ =	shalt  }
0x61: {  	_ =	shalt  }
0x62: {  	_ =	shalt  }
0x63: {  	_ =	shalt  }
0x64: {  	_ =	shalt  }
0x65: {  	_ =	shalt  }
0x66: {  	_ =	shalt  }
0x67: {  	_ =	shalt  }
0x68: {  	_ =	shalt  }
0x69: {  	_ =	shalt  }
0x6a: {  	_ =	shalt  }
0x6b: {  	_ =	shalt  }
0x6c: {  	_ =	shalt  }
0x6d: {  	_ =	shalt  }
0x6e: {  	_ =	shalt  }
0x6f: {  	_ =	shalt  }
0x70: {  	_ =	shalt  }
0x71: {  	_ =	shalt  }
0x72: {  	_ =	shalt  }
0x73: {  	_ =	shalt  }
0x74: {  	_ =	shalt  }
0x75: {  	_ =	shalt  }
0x76: {  	_ =	shalt  }
0x77: {  	_ =	shalt  }
0x78: {  	_ =	shalt  }
0x79: {  	_ =	shalt  }
0x7a: {  	_ =	shalt  }
0x7b: {  	_ =	shalt  }
0x7c: {  	_ =	shalt  }
0x7d: {  	_ =	shalt  }
0x7e: {  	_ =	shalt  }
0x7f: {  	_ =	shalt  }
0x80: {  	_ =	shalt  }
0x81: {  	_ =	shalt  }
0x82: {  	_ =	shalt  }
0x83: {  	_ =	shalt  }
0x84: {  	_ =	shalt  }
0x85: {  	_ =	shalt  }
0x86: {  	_ =	shalt  }
0x87: {  	_ =	shalt  }
.Lfunc_end0:
.L_simem_size_0:
called_computation.1_lowered:
.L_overlay_start_0:
0x88: {  	s2 =	sld [smem:$0x3FD9]  }
0x89: {  	s3 =	sld [smem:$0x3FFE];
	_ =	sdelay $0x1  }
0x8a: {  	s1 =	srdreg.scid  }
0x8b: {  	s0 =	sand.u32 $0x1, s1  }
0x8c: {  	s16 =	sshll.u32 s0, $0xA;
	s2 =	sadd.s32 s3, s2  }
0x8d: {  	s2 =	sadd.s32 s2, s16  }
0x8e: {  	[smem:$0x3FC0] =	sst s2  }
0x8f: {  	_ = 	snop  }
0x90: {  	(tm) =	ssettm $0x1  }
0x91: {  	s17 =	sld [smem:$0x3FFB];
	_ =	sdelay $0x3  }
0x92: {  	_ =	strace s17  }
0x93: {  	s2 =	sld [smem:$0x3FFC];
	_ =	sdelay $0x3  }
0x94: {  	_ =	strace s2  }
0x95: {  	s2 =	sld [smem:$0x3FFD];
	_ =	sdelay $0x3  }
0x96: {  	_ =	strace s2  }
0x97: {  	_ =	strace $0x8FFFFFFF  }
0x98: {  	s18 =	sld [smem:$0x3FDB];
	_ =	sdelay $0x1  }
0x99: {  	s19 =	simm.s32 $_scs_section_size  }
0x9a: {  	s4 =	simm.s32 $_size__tile_overlayer_lowered;
	s5 =	simm.s32 $_tile_overlayer_lowered  }
0x9b: {  	s22 =	simm.s32 $0x1BFF;
	s21 =	sshll.u32 s5, $0x1;
	s2 =	sadd.s32 s19, s18  }
0x9c: {  	s6 =	simm.s32 $0x0;
	s20 =	sshll.u32 s4, $0x1;
	s4 =	sadd.s32 s21, s2  }
0x9d: {  	[timem:s6], [sflag:s22] =	dma.local [hbm:s4], s20  }
0x9e: {  	_ =	swait.ge [sflag:s22], s20  }
0x9f: {  	s3 =	ssub.s32 $0x0, s20;
	[sflag:s22] =	ssyncset.done $0x0  }
0xa0: {  	[sflag:s22] =	ssyncadd.s32 s3;
	_ =	sdelay $0x1  }
0xa1: {  	s23 =	simm.s32 $0x1B8B  }
0xa2: {  	_ =	swait.ge [sflag:s23], $0x1  }
0xa3: {  	[sflag:s23] =	ssyncset.done $0x0  }
0xa4: {  	s25 =	simm.s32 $0x1B8E;
	s24 =	sld [smem:$0x3FFE];
	[sflag:s23] =	ssyncadd.s32 $0xFFFFFFFF  }
0xa5: {  	s26 =	simm.s32 $execute0_lowered;
	[smem:$0x3FD2] =	sst s25  }
0xa6: {  	s4 =	sshll.u32 s26, $0x1;
	_ =	strace $0x80000049;
	[dreg:$0x1] =	wrdreg $0xFFFFFFFF  }
0xa7: {  	s28 =	simm.s32 $_size_execute0_lowered;
	s2 =	sadd.s32 s2, s4;
	[dreg:$0x0] =	wrdreg $0x0  }
0xa8: {  	s4 =	sshll.u32 s28, $0x1;
	[dreg:$0x2] =	wrdreg s2  }
0xa9: {  	[dreg:$0x3] =	wrdreg s4  }
0xaa: {  	[dreg:$0x4] =	wrdreg $0xC0  }
0xab: {  	_ =	task [dreg:s6], $0x5FFFF  }
0xac: {  	[dreg:$0x1] =	wrdreg $0xFFFFFFFF  }
0xad: {  	[dreg:$0x0] =	wrdreg $0x60  }
0xae: {  	[dreg:$0x2] =	wrdreg s24  }
0xaf: {  	[dreg:$0x3] =	wrdreg $0xBF800  }
0xb0: {  	[dreg:$0x4] =	wrdreg $0x9  }
0xb1: {  	_ =	task.clear_ibuf [dreg:s6], $0x5FFFF;
	_ =	strace $0x90000049  }
0xb2: {  	s29 =	simm.s32 $0x9;
	_ =	strace $0x8000004B  }
0xb3: {  	_ =	swait.ge [sflag:s29], $0x1  }
0xb4: {  	[sflag:s29] =	ssyncadd.s32 $0xFFFFFFFF  }
0xb5: {  	_ =	strace $0x9000004B  }
0xb6: {  	_ =	sfence  }
0xb7: {  	s30 =	sld [smem:$0x0];
	_ =	sdelay $0x2  }
0xb8: {  	s31 =	sshll.u32 s1, $0xD;
	s1 =	sshrl.u32 s1, $0x2  }
0xb9: {  	s3 =	sand.u32 $0x4000, s31;
	s1 =	sadd.s32 s1, s30  }
0xba: {  	s0 =	sor.u32 s3, s0;
	s1 =	sshll.u32 s1, $0x11  }
0xbb: {  	s0 =	sor.u32 s1, s0  }
0xbc: {  	s0 =	sadd.s32 $0x8F2B, s0  }
0xbd: {  	[sflag:s0] =	ssyncadd.remote.s32 $0x1  }
0xbe: {  	_ =	sfence.sel $0xFFFF  }
0xbf: {  	[dreg:$0x0] =	wrdreg $0xFFFFFFFF;
	(pc) =	sbr.abs _section_cstart, $3  }
0xc0: {  	[dreg:$0x1] =	wrdreg $0xFFFFFFFF  }
0xc1: {  	_ =	task.clear_ibuf [dreg:s6], $0x2FFFF;
	_ =	strace $0x9FFFFFFF  }
0xc2: {  	(tm) =	ssettm $0x7FFFFFFF  }
0xc3: {  	_ =	shalt  }
tec
execute0_lowered:
.L_overlay_start_1:
0x0: {  	(tag) =	ssettag $0x1  }
0x1: {  	s6 =	rddreg [dreg:$0x0]  }
0x2: {  	s0 =	srdreg.scid;
	s2 =	rddreg [dreg:$0x1]  }
0x3: {  	s3 =	simm.s32 $0x0;
	s12 =	simm.s32 $0x1;
	s13 =	simm.s32 $0x2  }
0x4: {  	s14 =	simm.s32 $0xB780;
	s15 =	simm.s32 $0x50;
	s16 =	simm.s32 $0x6780  }
0x5: {  	s17 =	simm.s32 $0x8F80;
	s18 =	simm.s32 $0x3;
	s19 =	simm.s32 $0x6500  }
0x6: {  	s20 =	simm.s32 $0x6580;
	s5 =	sand.u32 $0x1, s0;
	s0 =	stileid.u32  }
0x7: {  	s21 =	simm.s32 $0x0;
	[smem:$0x7FF] =	sst s3;
	s9 =	smul.u32 $0x138800, s5  }
0x8: {  	s4 =	sadd.s32 $0x1D000, s6;
	s1 =	sshll.u32 s5, $0x4;
	s10 =	smul.u32 $0x13800, s0  }
0x9: {  	s5 =	ssub.s32 $0x2, s5;
	s30 =	smul.u32 $0x4E000, s0;
	p0 =	seq.s32 s0, $0xF  }
0xa: {  	s7 =	sor.u32 s0, s1;
	s1 =	rddreg [dreg:$0x2];
	_ =	strace $0x8000004A  }
0xb: {  	s29 =	sshrl.u32 s5, $0x1;
	s8 =	smul.u32 $0x4E2, s7;
	s7 =	sshll.u32 s7, $0xB  }
0xc: {  	s9 =	sadd.s32 s10, s9;
	s11 =	ssub.s32 s5, s29;
	s31 =	sshrl.u32 s30, $0x2  }
0xd: {  	s7 =	sadd.s32 s7, s6;
	s9 =	sshrl.u32 s9, $0x3;
	s8 =	sadd.s32 s8, s6  }
0xe: {  	s28 =	sadd.s32 s9, s6;
	s6 =	sadd.s32 $0xD000, s7;
	s7 =	simm.s32 $0x28  }
0xf: {  	s9 =	smax.u32 s11, $0x1;
	s11 =	simm.s32 $0x2780;
	s5 =	sadd.s32 $0x3200, s8  }
0x10: {  	v0 =	vimm.f32 $0.0e+00;
	s7 =	simm.s32 @!p0 $0x27;
	s8 =	sadd.s32 s31, s2;
	s10 =	sadd.s32 $0x6B400, s28  }
.LBB2_1:
0x11: {  	[tilespmem:s3], [sflag:$0x1] =	stream.linear.gather [hbm4b:s5+s3], $0x2710, $0x38;
	[tilespmem:$0x1F800] =	vst v63  }
0x12: {  	s22 =	sand.u32 $0x1E00, s3  }
0x13: {  	s23 =	sand.u32 $0x70, s3;
	s24 =	sshrl.u32 s22, $0x2  }
0x14: {  	[tilespmem:s11], [sflag:$0x2] =	stream.linear.gather [hbm4b:s6+s3], $0x3E80, $0x38;
	[tilespmem:$0x1F800] =	vst v63  }
0x15: {  	s22 =	simm.s32 $0x40;
	s24 =	sor.u32 s23, s24;
	s23 =	simm.s32 $0x0  }
.LBB2_2:
0x16: {  	p0 =	sne.s32 s22, $0x1FC0  }
0x17: {  	[tilespmem:s24+$0xB780] =	vst v0;
	s23 =	sadd.s32 $0x10, s23;
	s24 =	smov.u32 s22;
	s22 =	sadd.s32 $0x40, s22  }
.Ltmp0:
0x18: {  	(pc) =	sbr.rel @p0 .LBB2_2-.Ltmp0, $4  }
0x19: {  	_ = 	snop  }
0x1a: {  	s24 =	sand.u32 $0x1E00, s24  }
0x1b: {  	s25 =	sand.u32 $0x70, s23;
	s24 =	sshrl.u32 s24, $0x2  }
0x1c: {  	s24 =	sor.u32 s25, s24  }
0x1d: {  	[tilespmem:s24+$0xB780] =	vst v0  }
0x1e: {  	_ =	swait.ge [sflag:s12], $0x2710  }
0x1f: {  	p0 =	sne.s32 s7, $0x1;
	[sflag:s12] =	ssyncset.done $0x0  }
.Ltmp1:
0x20: {  	[sflag:s12] =	ssyncadd.s32 $0xFFFFD8F0;
	(pc) =	sbr.rel @!p0 .LBB2_5-.Ltmp1, $4  }
0x21: {  	_ =	swait.ge [sflag:s13], $0x3E80  }
0x22: {  	[sflag:s13] =	ssyncset.done $0x0  }
0x23: {  	s22 =	sadd.s32 $0xFFFFFFFF, s7;
	s23 =	smov.u32 s8;
	[sflag:s13] =	ssyncadd.s32 $0xFFFFC180  }
0x24: {  	[spmem:s8] =	stream.linear.scatter [tilespmem:s14], [sflag:$0x2], $0x800, $0x38;
	[tilespmem:$0x1F800] =	vst v63  }
.LBB2_4:
0x25: {  	p1 =	sne.s32 s22, $0x1  }
.Ltmp2:
0x26: {  	_ = 	snop;
	(pc) =	sbr.rel @p1 .LBB2_4-.Ltmp2, $3  }
0x27: {  	_ = 	snop  }
0x28: {  	s22 =	sadd.s32 $0xFFFFFFFF, s22;
	s23 =	sadd.s32 $0x800, s23;
	_ =	sdelay $0x1  }
0x29: {  	[spmem:s23] =	stream.linear.scatter [tilespmem:s14], [sflag:$0x2], $0x800, $0x38;
	[tilespmem:$0x1F800] =	vst v63  }
.LBB2_5:
.Ltmp3:
0x2a: {  	(pc) =	sbr.rel @!p0 .LBB2_7-.Ltmp3, $3  }
0x2b: {  	_ =	sdelay $0x1  }
0x2c: {  	_ =	swait.ge [sflag:s13], $0x800  }
0x2d: {  	s22 =	sadd.s32 $0xFFFFFFFF, s7;
	[sflag:s13] =	ssyncset.done $0x0  }
.LBB2_6:
0x2e: {  	p1 =	sne.s32 s22, $0x1;
	s22 =	sadd.s32 $0xFFFFFFFF, s22;
	[sflag:s13] =	ssyncadd.s32 $0xFFFFF800  }
.Ltmp4:
0x2f: {  	(pc) =	sbr.rel @p1 .LBB2_6-.Ltmp4, $3  }
0x30: {  	_ =	sdelay $0x1  }
0x31: {  	_ =	swait.ge [sflag:s13], $0x800  }
0x32: {  	[sflag:s13] =	ssyncset.done $0x0  }
.LBB2_7:
0x33: {  	[sflag:s13] =	ssyncadd.s32 $0xFFFFF800  }
0x34: {  	s22 =	simm.s32 $0x0;
	[bflag:$0x0] =	sbarrier.arrive $0xFFFF  }
0x35: {  	[tilespmem:s16], [sflag:$0x1] =	stream.indirect.gather [hbm4b:s4+s15], $0x80, s22, s15, $0xb8;
	[tilespmem:$0x1F800] =	vst v63  }
0x36: {  	_ = 	snop  }
0x37: {  	[tilespmem:s17], [sflag:$0x1] =	stream.indirect.gather [hbm4b:s4+s15], $0x80, s15, s15, $0xb8;
	[tilespmem:$0x1F800] =	vst v63  }
0x38: {  	s22 =	sand.u32 $0x1, s22;
	_ =	swait.ge [sflag:s12], $0x2800  }
0x39: {  	s23 =	simm.s32 $0x8F80;
	p1 =	seq.s32 s22, $0x1;
	[sflag:s12] =	ssyncset.done $0x0  }
0x3a: {  	s31 =	simm.s32 $0x2780;
	s23 =	simm.s32 @!p1 $0x6780;
	[sflag:s12] =	ssyncadd.s32 $0xFFFFD800  }
0x3b: {  	[spmem:s2] =	stream.indirect.scatter.add.f32 [tilespmem:s23], [sflag:$0x3], $0x80, s31, s15, $0xb8;
	[tilespmem:$0x1F800] =	vst v63  }
0x3c: {  	_ =	swait.ge [sflag:s18], $0x2800  }
0x3d: {  	s26 =	simm.s32 $0xA0;
	s24 =	simm.s32 $0xF0;
	[sflag:s18] =	ssyncset.done $0x0  }
0x3e: {  	s25 =	simm.s32 $0x2800;
	s22 =	simm.s32 $0x1;
	[sflag:s18] =	ssyncadd.s32 $0xFFFFD800  }
.LBB2_8:
0x3f: {  	[tilespmem:s23], [sflag:$0x1] =	stream.indirect.gather [hbm4b:s4+s15], $0x80, s26, s15, $0xb8;
	[tilespmem:$0x1F800] =	vst v63  }
0x40: {  	s23 =	sand.u32 $0x1, s22  }
0x41: {  	p1 =	sne.s32 s22, $0x7A;
	s22 =	sadd.s32 $0x1, s22;
	_ =	swait.ge [sflag:s12], $0x2800  }
0x42: {  	p2 =	seq.s32 s23, $0x1;
	s23 =	simm.s32 $0x8F80;
	[sflag:s12] =	ssyncset.done $0x0  }
.Ltmp5:
0x43: {  	s23 =	simm.s32 @!p2 $0x6780;
	[sflag:s12] =	ssyncadd.s32 $0xFFFFD800;
	(pc) =	sbr.rel @p1 .LBB2_8-.Ltmp5, $4  }
0x44: {  	[spmem:s2] =	stream.indirect.scatter.add.f32 [tilespmem:s23], [sflag:$0x3], $0x80, s25, s15, $0xb8;
	[tilespmem:$0x1F800] =	vst v63  }
0x45: {  	s26 =	smov.u32 s24;
	_ =	swait.ge [sflag:s18], $0x2800  }
0x46: {  	[sflag:s18] =	ssyncset.done $0x0  }
0x47: {  	s24 =	sadd.s32 $0x50, s24;
	s25 =	sadd.s32 $0x80, s25;
	[sflag:s18] =	ssyncadd.s32 $0xFFFFD800  }
0x48: {  	[tilespmem:s23], [sflag:$0x1] =	stream.indirect.gather [hbm4b:s4+s15], $0x80, s26, s15, $0xb8;
	[tilespmem:$0x1F800] =	vst v63  }
0x49: {  	_ =	swait.ge [sflag:s12], $0x2800  }
0x4a: {  	[sflag:s12] =	ssyncset.done $0x0  }
0x4b: {  	[sflag:s12] =	ssyncadd.s32 $0xFFFFD800  }
0x4c: {  	[spmem:s2] =	stream.indirect.scatter.add.f32 [tilespmem:s17], [sflag:$0x3], $0x80, s19, s15, $0xb8;
	[tilespmem:$0x1F800] =	vst v63  }
0x4d: {  	_ =	swait.ge [sflag:s18], $0x2800  }
0x4e: {  	[sflag:s18] =	ssyncset.done $0x0  }
0x4f: {  	[sflag:s18] =	ssyncadd.s32 $0xFFFFD800  }
0x50: {  	_ =	swait.ge [sflag:s12], $0x2800  }
0x51: {  	[sflag:s12] =	ssyncset.done $0x0  }
0x52: {  	[sflag:s12] =	ssyncadd.s32 $0xFFFFD800  }
0x53: {  	[spmem:s2] =	stream.indirect.scatter.add.f32 [tilespmem:s16], [sflag:$0x3], $0x80, s20, s15, $0xb8;
	[tilespmem:$0x1F800] =	vst v63  }
.Ltmp6:
0x54: {  	_ =	swait.ge [sflag:s18], $0x2800;
	(pc) =	sbr.rel @!p0 .LBB2_11-.Ltmp6, $4  }
0x55: {  	s22 =	sshll.u32 s0, $0x6;
	s31 =	sshrl.u32 s8, $0x3;
	[sflag:s18] =	ssyncset.done $0x0  }
0x56: {  	s23 =	sadd.s32 $0xFFFFFFFF, s7;
	s24 =	sadd.s32 $0x800, s8;
	[sflag:s18] =	ssyncadd.s32 $0xFFFFD800  }
0x57: {  	s25 =	smov.u32 s10;
	s22 =	sor.u32 $0x1C02, s22;
	[bflag:$0x0] =	sbarrier.arrive $0xFFFF  }
0x58: {  	[hbm:s10], [sflag:s22] =	dma.local [spmem:s31], $0x100  }
.LBB2_10:
0x59: {  	p1 =	sne.s32 s23, $0x1;
	s23 =	sadd.s32 $0xFFFFFFFF, s23  }
.Ltmp7:
0x5a: {  	s26 =	sshrl.u32 s24, $0x3;
	s25 =	sadd.s32 $0x100, s25;
	(pc) =	sbr.rel @p1 .LBB2_10-.Ltmp7, $3  }
0x5b: {  	[hbm:s25], [sflag:s22] =	dma.local [spmem:s26], $0x100  }
0x5c: {  	_ =	sdelay $0x1  }
0x5d: {  	s24 =	sadd.s32 $0x800, s24  }
.LBB2_11:
.Ltmp8:
0x5e: {  	(pc) =	sbr.rel @!p0 .LBB2_13-.Ltmp8, $3  }
0x5f: {  	_ =	sdelay $0x1  }
0x60: {  	_ =	swait.ge [sflag:s13], $0x100  }
0x61: {  	s22 =	sadd.s32 $0xFFFFFFFF, s7;
	[sflag:s13] =	ssyncset.done $0x0  }
.LBB2_12:
0x62: {  	p0 =	sne.s32 s22, $0x1;
	s22 =	sadd.s32 $0xFFFFFFFF, s22;
	[sflag:s13] =	ssyncadd.s32 $0xFFFFFF00  }
.Ltmp9:
0x63: {  	(pc) =	sbr.rel @p0 .LBB2_12-.Ltmp9, $3  }
0x64: {  	_ =	sdelay $0x1  }
0x65: {  	_ =	swait.ge [sflag:s13], $0x100  }
0x66: {  	[sflag:s13] =	ssyncset.done $0x0  }
.LBB2_13:
0x67: {  	s21 =	sadd.s32 $0x1, s21  }
0x68: {  	p0 =	sne.s32 s21, s9  }
.Ltmp10:
0x69: {  	_ = 	snop;
	(pc) =	sbr.rel @p0 .LBB2_1-.Ltmp10, $2  }
0x6a: {  	_ =	sdelay $0x2  }
0x6b: {  	[sflag:s13] =	ssyncadd.s32 $0xFFFFFF00  }
0x6c: {  	_ =	sfence.sel $0x180000  }
0x6d: {  	[bflag:$0x0] =	sbarrier.arrive $0xFFFF  }
0x6e: {  	p0 =	sne.s32 s0, $0x0;
	_ =	strace $0x9000004A  }
0x6f: {  	s0 =	sadd.s32 @!p0 $0x100000, s1;
	[bflag:$0x2] =	sbarrier.arrive $0xFFFF  }
0x70: {  	[sflag:s0] =	ssyncadd.tile.s32 @!p0 $0x1;
	_ =	shalt  }
.Lfunc_end2:
_tile_overlayer_lowered:
.L_overlay_start_2:
0x71: {  	(tag) =	ssettag $0x2  }
0x72: {  	s0 =	rddreg [dreg:$0x0];
	s2 =	stileid.u32  }
0x73: {  	s1 =	rddreg [dreg:$0x1];
	p0 =	sne.s32 s2, $0x0  }
0x74: {  	s3 =	rddreg [dreg:$0x2];
	[bflag:$0x3] =	sbarrier.arrive $0xFFFF;
	s2 =	simm.s32 @!p0 $0x1C03  }
0x75: {  	[timem:s3], [sflag:s2] =	dma.local @!p0 [hbm:s0], s1  }
0x76: {  	s0 =	simm.s32 @!p0 $0x3  }
0x77: {  	_ =	swait.ge @!p0 [sflag:s0], s1  }
0x78: {  	s1 =	ssub.s32 @!p0 $0x0, s1;
	[sflag:s0] =	ssyncset.done @!p0 $0x0  }
0x79: {  	[sflag:s0] =	ssyncadd.s32 @!p0 s1  }
0x7a: {  	[bflag:$0x3] =	sbarrier.arrive $0xFFFF  }
0x7b: {  	_ =	shalt  }

// kernel: kernel.7.cloned.1.call-start
scs
__scs_entry_jumppad:
0x0: {  	(pc) =	sbr.rel $0x88, $3  }
0x1: {  	(tag) =	ssettag $0x0;
	lr =	simm.s32 $0x1  }
0x2: {  	[smem:$0x3F99] =	sst lr;
	_ =	strace $0xD0000000  }
0x3: {  	_ = 	snop  }
0x4: {  	_ = 	snop  }
0x5: {  	_ = 	snop  }
0x6: {  	_ = 	snop  }
0x7: {  	_ = 	snop  }
__scs_overlays_trampoline_lowered:
0x8: {  	[smem:$0x3FA8] =	sst s0  }
0x9: {  	[smem:$0x3FA9] =	sst s1  }
0xa: {  	[smem:$0x3FAA] =	sst s2  }
0xb: {  	[smem:$0x3FAB] =	sst s3  }
0xc: {  	[smem:$0x3FAC] =	sst s4  }
0xd: {  	[smem:$0x3FAD] =	sst s5  }
0xe: {  	[smem:$0x3FAE] =	sst s6  }
0xf: {  	[smem:$0x3FAF] =	sst s7  }
0x10: {  	[smem:$0x3FB0] =	sst s8  }
0x11: {  	[smem:$0x3FB1] =	sst s9;
	s0 =	simm.s32 @!p0 $0x0  }
0x12: {  	s1 =	sld [smem:$0x3F97];
	s0 =	simm.s32 @p0 $0x1  }
0x13: {  	[smem:$0x3FB2] =	sst s0;
	s0 =	simm.s32 @!p1 $0x0  }
0x14: {  	s2 =	sld [smem:$0x3F96];
	s0 =	simm.s32 @p1 $0x1  }
0x15: {  	[smem:$0x3FB3] =	sst s0;
	s0 =	simm.s32 @!p2 $0x0  }
0x16: {  	s3 =	sld [smem:$0x3FDB];
	s0 =	simm.s32 @p2 $0x1  }
0x17: {  	s4 =	simm.s32 $0x1BF5;
	[smem:$0x3FB5] =	sst s0  }
0x18: {  	s0 =	sld [smem:$0x3F98];
	_ =	swait.ge [sflag:s4], $0x0  }
0x19: {  	s7 =	sld [smem:$0x3F99]  }
0x1a: {  	s8 =	sadd.s32 $0xFFFFE003, lr  }
0x1b: {  	s9 =	sadd.s32 $0xFFFFFEF7, lr;
	s5 =	simm.s32 $0xFFFFFFFF;
	p2 =	slt.u32 s8, $0xFFFFF086  }
0x1c: {  	p1 =	slt.u32 s9, $0xF7A;
	s5 =	simm.s32 @!p2 $0x0  }
0x1d: {  	s5 =	simm.s32 @p1 $0x1;
	p0 =	seq.s32 s7, s2  }
0x1e: {  	s7 =	smul.u32 @!p0 $0xF7A, s2;
	p2 =	seq.s32 @!p0 s5, $0x0  }
0x1f: {  	s9 =	smul.u32 $0xF7A, s1;
	s8 =	simm.s32 @!p0 $0x1BF5;
	p2 =	por !p2, p0  }
0x20: {  	[sflag:s8] =	ssyncset.s32 @!p0 $0xFFFFF086;
	s6 =	sadd.s32 @!p0 s3, s7;
	s7 =	simm.s32 @!p0 $0x108  }
0x21: {  	s3 =	sadd.s32 s3, s9;
	s6 =	sadd.s32 @!p0 $0x88, s6;
	s7 =	simm.s32 @p2 $0x1082  }
0x22: {  	[simem:s7], [sflag:s8] =	dma.local @!p0 [hbm:s6], $0xF7A  }
0x23: {  	s9 =	sor.u32 $0xD0000000, s2;
	s6 =	simm.s32 $0x108;
	_ =	swait.ge @!p0 [sflag:s8], $0x0  }
0x24: {  	s3 =	sadd.s32 $0x88, s3;
	s6 =	simm.s32 @!p1 $0x1082;
	[sflag:s4] =	ssyncset.s32 $0xFFFFF086  }
0x25: {  	[simem:s6], [sflag:s4] =	dma.local [hbm:s3], $0xF7A  }
0x26: {  	[smem:$0x3F99] =	sst s1;
	(tag) =	ssettag s2;
	_ =	strace s9  }
0x27: {  	s1 =	sld [smem:$0x3FA9]  }
0x28: {  	s2 =	sld [smem:$0x3FAA]  }
0x29: {  	s4 =	sld [smem:$0x3FAC]  }
0x2a: {  	p0 =	seq.s32 s5, $0x0;
	s5 =	sld [smem:$0x3FAD]  }
0x2b: {  	s6 =	sld [smem:$0x3FAE]  }
0x2c: {  	s7 =	sld [smem:$0x3FAF]  }
0x2d: {  	s3 =	simm.s32 $0x108;
	s8 =	sld [smem:$0x3FB0]  }
0x2e: {  	s3 =	simm.s32 @!p0 $0x1082;
	s9 =	sld [smem:$0x3FB1]  }
0x2f: {  	lr =	sadd.s32 s0, s3;
	s0 =	sld [smem:$0x3FA8]  }
0x30: {  	s3 =	sld [smem:$0x3FAB]  }
0x31: {  	[smem:$0x3FB4] =	sst s10  }
0x32: {  	s10 =	sld [smem:$0x3FB2];
	_ =	sdelay $0x3  }
0x33: {  	p0 =	seq.s32 s10, $0x1;
	s10 =	sld [smem:$0x3FB4];
	_ =	sdelay $0x3  }
0x34: {  	[smem:$0x3FB4] =	sst s10  }
0x35: {  	s10 =	sld [smem:$0x3FB3];
	_ =	sdelay $0x3  }
0x36: {  	p1 =	seq.s32 s10, $0x1;
	s10 =	sld [smem:$0x3FB4];
	_ =	sdelay $0x3  }
0x37: {  	[smem:$0x3FB4] =	sst s10  }
0x38: {  	s10 =	sld [smem:$0x3FB5]  }
0x39: {  	_ = 	snop;
	(pc) =	sbr.ind lr, $3  }
0x3a: {  	_ = 	snop  }
0x3b: {  	_ = 	snop  }
0x3c: {  	p2 =	seq.s32 s10, $0x1;
	s10 =	sld [smem:$0x3FB4]  }
0x3d: {  	_ =	shalt  }
0x3e: {  	_ =	shalt  }
0x3f: {  	_ =	shalt  }
0x40: {  	_ =	shalt  }
0x41: {  	_ =	shalt  }
0x42: {  	_ =	shalt  }
0x43: {  	_ =	shalt  }
0x44: {  	_ =	shalt  }
0x45: {  	_ =	shalt  }
0x46: {  	_ =	shalt  }
0x47: {  	_ =	shalt  }
0x48: {  	_ =	shalt  }
0x49: {  	_ =	shalt  }
0x4a: {  	_ =	shalt  }
0x4b: {  	_ =	shalt  }
0x4c: {  	_ =	shalt  }
0x4d: {  	_ =	shalt  }
0x4e: {  	_ =	shalt  }
0x4f: {  	_ =	shalt  }
0x50: {  	_ =	shalt  }
0x51: {  	_ =	shalt  }
0x52: {  	_ =	shalt  }
0x53: {  	_ =	shalt  }
0x54: {  	_ =	shalt  }
0x55: {  	_ =	shalt  }
0x56: {  	_ =	shalt  }
0x57: {  	_ =	shalt  }
0x58: {  	_ =	shalt  }
0x59: {  	_ =	shalt  }
0x5a: {  	_ =	shalt  }
0x5b: {  	_ =	shalt  }
0x5c: {  	_ =	shalt  }
0x5d: {  	_ =	shalt  }
0x5e: {  	_ =	shalt  }
0x5f: {  	_ =	shalt  }
0x60: {  	_ =	shalt  }
0x61: {  	_ =	shalt  }
0x62: {  	_ =	shalt  }
0x63: {  	_ =	shalt  }
0x64: {  	_ =	shalt  }
0x65: {  	_ =	shalt  }
0x66: {  	_ =	shalt  }
0x67: {  	_ =	shalt  }
0x68: {  	_ =	shalt  }
0x69: {  	_ =	shalt  }
0x6a: {  	_ =	shalt  }
0x6b: {  	_ =	shalt  }
0x6c: {  	_ =	shalt  }
0x6d: {  	_ =	shalt  }
0x6e: {  	_ =	shalt  }
0x6f: {  	_ =	shalt  }
0x70: {  	_ =	shalt  }
0x71: {  	_ =	shalt  }
0x72: {  	_ =	shalt  }
0x73: {  	_ =	shalt  }
0x74: {  	_ =	shalt  }
0x75: {  	_ =	shalt  }
0x76: {  	_ =	shalt  }
0x77: {  	_ =	shalt  }
0x78: {  	_ =	shalt  }
0x79: {  	_ =	shalt  }
0x7a: {  	_ =	shalt  }
0x7b: {  	_ =	shalt  }
0x7c: {  	_ =	shalt  }
0x7d: {  	_ =	shalt  }
0x7e: {  	_ =	shalt  }
0x7f: {  	_ =	shalt  }
0x80: {  	_ =	shalt  }
0x81: {  	_ =	shalt  }
0x82: {  	_ =	shalt  }
0x83: {  	_ =	shalt  }
0x84: {  	_ =	shalt  }
0x85: {  	_ =	shalt  }
0x86: {  	_ =	shalt  }
0x87: {  	_ =	shalt  }
.Lfunc_end0:
.L_simem_size_0:
called_computation_lowered:
.L_overlay_start_0:
0x88: {  	s2 =	sld [smem:$0x3FD9]  }
0x89: {  	s3 =	sld [smem:$0x3FFE];
	_ =	sdelay $0x1  }
0x8a: {  	s1 =	srdreg.scid  }
0x8b: {  	s0 =	sand.u32 $0x1, s1  }
0x8c: {  	s17 =	sshll.u32 s0, $0xA;
	s2 =	sadd.s32 s3, s2  }
0x8d: {  	s2 =	sadd.s32 s2, s17  }
0x8e: {  	[smem:$0x3FC0] =	sst s2  }
0x8f: {  	_ = 	snop  }
0x90: {  	s2 =	sld [smem:$0x3FD0];
	(tm) =	ssettm $0x1  }
0x91: {  	s18 =	sld [smem:$0x3FFB];
	_ =	sdelay $0x3  }
0x92: {  	_ =	strace s18  }
0x93: {  	s3 =	sld [smem:$0x3FFC];
	_ =	sdelay $0x3  }
0x94: {  	_ =	strace s3  }
0x95: {  	s3 =	sld [smem:$0x3FFD];
	_ =	sdelay $0x3  }
0x96: {  	_ =	strace s3  }
0x97: {  	_ =	strace $0x8FFFFFFF  }
0x98: {  	s19 =	sld [smem:$0x3FDB];
	_ =	sdelay $0x1  }
0x99: {  	s4 =	simm.s32 $_scs_section_size  }
0x9a: {  	s5 =	simm.s32 $_size__tile_overlayer_lowered;
	s6 =	simm.s32 $_tile_overlayer_lowered  }
0x9b: {  	s22 =	simm.s32 $0x1BFF;
	s21 =	sshll.u32 s6, $0x1;
	s3 =	sadd.s32 s4, s19  }
0x9c: {  	s7 =	simm.s32 $0x0;
	s20 =	sshll.u32 s5, $0x1;
	s5 =	sadd.s32 s21, s3  }
0x9d: {  	[timem:s7], [sflag:s22] =	dma.local [hbm:s5], s20  }
0x9e: {  	_ =	swait.ge [sflag:s22], s20  }
0x9f: {  	s4 =	ssub.s32 $0x0, s20;
	[sflag:s22] =	ssyncset.done $0x0  }
0xa0: {  	[sflag:s22] =	ssyncadd.s32 s4;
	_ =	sdelay $0x1  }
0xa1: {  	s23 =	simm.s32 $0x1B8B  }
0xa2: {  	_ =	swait.ge [sflag:s23], $0x1  }
0xa3: {  	[sflag:s23] =	ssyncset.done $0x0  }
0xa4: {  	s25 =	simm.s32 $0x1B8E;
	s24 =	sld [smem:$0x3FFE];
	[sflag:s23] =	ssyncadd.s32 $0xFFFFFFFF  }
0xa5: {  	s26 =	simm.s32 $execute0_lowered;
	[smem:$0x3FD2] =	sst s25  }
0xa6: {  	s5 =	sshll.u32 s26, $0x1;
	_ =	strace $0x80000046;
	[dreg:$0x1] =	wrdreg $0xFFFFFFFF  }
0xa7: {  	s28 =	simm.s32 $_size_execute0_lowered;
	s3 =	sadd.s32 s3, s5;
	[dreg:$0x0] =	wrdreg $0x0  }
0xa8: {  	s5 =	sshll.u32 s28, $0x1;
	[dreg:$0x2] =	wrdreg s3  }
0xa9: {  	[dreg:$0x3] =	wrdreg s5  }
0xaa: {  	[dreg:$0x4] =	wrdreg $0xC0  }
0xab: {  	_ =	task [dreg:s7], $0x5FFFF  }
0xac: {  	[dreg:$0x1] =	wrdreg $0xFFFFFFFF  }
0xad: {  	[dreg:$0x0] =	wrdreg $0x60  }
0xae: {  	[dreg:$0x2] =	wrdreg s2  }
0xaf: {  	[dreg:$0x3] =	wrdreg s24  }
0xb0: {  	[dreg:$0x4] =	wrdreg $0xBF800  }
0xb1: {  	[dreg:$0x5] =	wrdreg $0x9  }
0xb2: {  	_ =	task.clear_ibuf [dreg:s7], $0x6FFFF;
	_ =	strace $0x90000046  }
0xb3: {  	s29 =	simm.s32 $0x9;
	_ =	strace $0x80000048  }
0xb4: {  	_ =	swait.ge [sflag:s29], $0x1  }
0xb5: {  	[sflag:s29] =	ssyncadd.s32 $0xFFFFFFFF  }
0xb6: {  	_ =	strace $0x90000048  }
0xb7: {  	_ =	sfence  }
0xb8: {  	s30 =	sld [smem:$0x0];
	_ =	sdelay $0x2  }
0xb9: {  	s31 =	sshll.u32 s1, $0xD;
	s1 =	sshrl.u32 s1, $0x2  }
0xba: {  	s3 =	sand.u32 $0x4000, s31;
	s1 =	sadd.s32 s1, s30  }
0xbb: {  	s0 =	sor.u32 s3, s0;
	s1 =	sshll.u32 s1, $0x11  }
0xbc: {  	s0 =	sor.u32 s1, s0  }
0xbd: {  	s0 =	sadd.s32 $0x8F2B, s0  }
0xbe: {  	[sflag:s0] =	ssyncadd.remote.s32 $0x1  }
0xbf: {  	_ =	sfence.sel $0xFFFF  }
0xc0: {  	[dreg:$0x0] =	wrdreg $0xFFFFFFFF;
	(pc) =	sbr.abs _section_cstart, $3  }
0xc1: {  	[dreg:$0x1] =	wrdreg $0xFFFFFFFF  }
0xc2: {  	_ =	task.clear_ibuf [dreg:s7], $0x2FFFF;
	_ =	strace $0x9FFFFFFF  }
0xc3: {  	(tm) =	ssettm $0x7FFFFFFF  }
tec
execute0_lowered:
.L_overlay_start_1:
0x0: {  	(tag) =	ssettag $0x1  }
0x1: {  	s1 =	rddreg [dreg:$0x0]  }
0x2: {  	s6 =	rddreg [dreg:$0x1]  }
0x3: {  	s0 =	srdreg.scid;
	s3 =	rddreg [dreg:$0x2]  }
0x4: {  	s4 =	simm.s32 $0x0;
	s12 =	simm.s32 $0x2780;
	s13 =	simm.s32 $0x1  }
0x5: {  	s14 =	simm.s32 $0x2;
	s15 =	simm.s32 $0xB780;
	s16 =	simm.s32 $0x50  }
0x6: {  	s17 =	simm.s32 $0x6780;
	s18 =	simm.s32 $0x8F80;
	s19 =	simm.s32 $0x3  }
0x7: {  	s20 =	simm.s32 $0x6500;
	s21 =	simm.s32 $0x6580;
	s5 =	sand.u32 $0x1, s0  }
0x8: {  	s22 =	simm.s32 $0x0;
	s0 =	stileid.u32;
	s9 =	smul.u32 $0x138800, s5  }
0x9: {  	[smem:$0x7FF] =	sst s4;
	s2 =	sshll.u32 s5, $0x4;
	s10 =	smul.u32 $0x13800, s0  }
0xa: {  	s5 =	ssub.s32 $0x2, s5;
	s30 =	smul.u32 $0x4E000, s0;
	p0 =	seq.s32 s0, $0xF  }
0xb: {  	s7 =	sor.u32 s0, s2;
	s2 =	rddreg [dreg:$0x3];
	_ =	strace $0x80000047  }
0xc: {  	s28 =	sshrl.u32 s5, $0x1;
	s8 =	smul.u32 $0x4E2, s7;
	s7 =	sshll.u32 s7, $0xB  }
0xd: {  	s9 =	sadd.s32 s10, s9;
	s29 =	ssub.s32 s5, s28;
	s31 =	sshrl.u32 s30, $0x2  }
0xe: {  	s7 =	sadd.s32 s7, s6;
	s9 =	sshrl.u32 s9, $0x3;
	s8 =	sadd.s32 s8, s6  }
0xf: {  	s11 =	sadd.s32 s9, s6;
	s6 =	simm.s32 $0x28;
	s7 =	sadd.s32 $0xD000, s7  }
0x10: {  	s9 =	smax.u32 s29, $0x1;
	s5 =	sadd.s32 $0x3200, s8;
	s6 =	simm.s32 @!p0 $0x27  }
0x11: {  	v0 =	vimm.f32 $0.0e+00;
	v1 =	vimm.f32 $1.000000000e+00;
	s8 =	sadd.s32 s31, s3;
	s10 =	sadd.s32 $0x92400, s11;
	s11 =	sadd.s32 $0x44200, s11  }
.LBB2_1:
0x12: {  	[tilespmem:s4], [sflag:$0x1] =	stream.linear.gather [hbm4b:s5+s4], $0x2710, $0x38;
	[tilespmem:$0x1F800] =	vst v63  }
0x13: {  	s23 =	simm.s32 $0x0;
	s24 =	simm.s32 $0x0  }
0x14: {  	[tilespmem:s12], [sflag:$0x2] =	stream.linear.gather [hbm4b:s7+s4], $0x3E80, $0x38;
	[tilespmem:$0x1F800] =	vst v63  }
.LBB2_2:
0x15: {  	p0 =	sne.s32 s24, $0x1FC0  }
.Ltmp0:
0x16: {  	_ = 	snop;
	(pc) =	sbr.rel @p0 .LBB2_2-.Ltmp0, $4  }
0x17: {  	s25 =	sand.u32 $0x1E00, s24  }
0x18: {  	s26 =	sand.u32 $0x70, s23;
	s25 =	sshrl.u32 s25, $0x2  }
0x19: {  	s25 =	sor.u32 s26, s25  }
0x1a: {  	s23 =	sadd.s32 $0x10, s23;
	s24 =	sadd.s32 $0x40, s24;
	[tilespmem:s25+$0xB780] =	vst v0  }
0x1b: {  	s23 =	simm.s32 $0x0  }
0x1c: {  	s24 =	sand.u32 $0xFE00, s23  }
0x1d: {  	s25 =	sand.u32 $0x70, s23;
	s26 =	sshrl.u32 s24, $0x2  }
0x1e: {  	s24 =	simm.s32 $0x40;
	s25 =	sor.u32 s25, s26  }
.LBB2_4:
0x1f: {  	p0 =	sne.s32 s24, $0x9FC0  }
0x20: {  	[tilespmem:s25+$0x6780] =	vst v1;
	s23 =	sadd.s32 $0x10, s23;
	s25 =	smov.u32 s24;
	s24 =	sadd.s32 $0x40, s24  }
.Ltmp1:
0x21: {  	(pc) =	sbr.rel @p0 .LBB2_4-.Ltmp1, $4  }
0x22: {  	_ = 	snop  }
0x23: {  	s25 =	sand.u32 $0xFE00, s25  }
0x24: {  	s26 =	sand.u32 $0x70, s23;
	s25 =	sshrl.u32 s25, $0x2  }
0x25: {  	s25 =	sor.u32 s26, s25  }
0x26: {  	[tilespmem:s25+$0x6780] =	vst v1  }
0x27: {  	_ =	swait.ge [sflag:s13], $0x2710  }
0x28: {  	p0 =	sne.s32 s6, $0x1;
	[sflag:s13] =	ssyncset.done $0x0  }
.Ltmp2:
0x29: {  	[sflag:s13] =	ssyncadd.s32 $0xFFFFD8F0;
	(pc) =	sbr.rel @!p0 .LBB2_7-.Ltmp2, $4  }
0x2a: {  	_ =	swait.ge [sflag:s14], $0x3E80  }
0x2b: {  	[sflag:s14] =	ssyncset.done $0x0  }
0x2c: {  	s23 =	sadd.s32 $0xFFFFFFFF, s6;
	s24 =	smov.u32 s8;
	[sflag:s14] =	ssyncadd.s32 $0xFFFFC180  }
0x2d: {  	[spmem:s8] =	stream.linear.scatter [tilespmem:s15], [sflag:$0x2], $0x800, $0x38;
	[tilespmem:$0x1F800] =	vst v63  }
.LBB2_6:
0x2e: {  	p1 =	sne.s32 s23, $0x1  }
.Ltmp3:
0x2f: {  	_ = 	snop;
	(pc) =	sbr.rel @p1 .LBB2_6-.Ltmp3, $3  }
0x30: {  	_ = 	snop  }
0x31: {  	s23 =	sadd.s32 $0xFFFFFFFF, s23;
	s24 =	sadd.s32 $0x800, s24;
	_ =	sdelay $0x1  }
0x32: {  	[spmem:s24] =	stream.linear.scatter [tilespmem:s15], [sflag:$0x2], $0x800, $0x38;
	[tilespmem:$0x1F800] =	vst v63  }
.LBB2_7:
.Ltmp4:
0x33: {  	(pc) =	sbr.rel @!p0 .LBB2_9-.Ltmp4, $3  }
0x34: {  	_ =	sdelay $0x1  }
0x35: {  	_ =	swait.ge [sflag:s14], $0x800  }
0x36: {  	s23 =	sadd.s32 $0xFFFFFFFF, s6;
	[sflag:s14] =	ssyncset.done $0x0  }
.LBB2_8:
0x37: {  	p1 =	sne.s32 s23, $0x1;
	s23 =	sadd.s32 $0xFFFFFFFF, s23;
	[sflag:s14] =	ssyncadd.s32 $0xFFFFF800  }
.Ltmp5:
0x38: {  	(pc) =	sbr.rel @p1 .LBB2_8-.Ltmp5, $3  }
0x39: {  	_ =	sdelay $0x1  }
0x3a: {  	_ =	swait.ge [sflag:s14], $0x800  }
0x3b: {  	[sflag:s14] =	ssyncset.done $0x0  }
.LBB2_9:
0x3c: {  	[sflag:s14] =	ssyncadd.s32 $0xFFFFF800  }
0x3d: {  	s23 =	simm.s32 $0x2780;
	[bflag:$0x0] =	sbarrier.arrive $0xFFFF  }
0x3e: {  	[spmem:s3] =	stream.indirect.scatter.add.f32 [tilespmem:s17], [sflag:$0x1], $0x80, s23, s16, $0xb8;
	[tilespmem:$0x1F800] =	vst v63  }
0x3f: {  	s28 =	simm.s32 $0x2800  }
0x40: {  	[spmem:s3] =	stream.indirect.scatter.add.f32 [tilespmem:s17], [sflag:$0x1], $0x80, s28, s16, $0xb8;
	[tilespmem:$0x1F800] =	vst v63  }
0x41: {  	s29 =	simm.s32 $0x2880  }
0x42: {  	[spmem:s3] =	stream.indirect.scatter.add.f32 [tilespmem:s17], [sflag:$0x1], $0x80, s29, s16, $0xb8;
	[tilespmem:$0x1F800] =	vst v63  }
0x43: {  	s30 =	simm.s32 $0x2900  }
0x44: {  	[spmem:s3] =	stream.indirect.scatter.add.f32 [tilespmem:s17], [sflag:$0x1], $0x80, s30, s16, $0xb8;
	[tilespmem:$0x1F800] =	vst v63  }
0x45: {  	s31 =	simm.s32 $0x2980  }
0x46: {  	[spmem:s3] =	stream.indirect.scatter.add.f32 [tilespmem:s17], [sflag:$0x1], $0x80, s31, s16, $0xb8;
	[tilespmem:$0x1F800] =	vst v63  }
0x47: {  	_ =	swait.ge [sflag:s13], $0x2800  }
0x48: {  	[sflag:s13] =	ssyncset.done $0x0  }
0x49: {  	[sflag:s13] =	ssyncadd.s32 $0xFFFFD800  }
0x4a: {  	_ =	swait.ge [sflag:s13], $0x2800  }
0x4b: {  	[sflag:s13] =	ssyncset.done $0x0  }
0x4c: {  	[sflag:s13] =	ssyncadd.s32 $0xFFFFD800  }
0x4d: {  	_ =	swait.ge [sflag:s13], $0x2800  }
0x4e: {  	[sflag:s13] =	ssyncset.done $0x0  }
0x4f: {  	[sflag:s13] =	ssyncadd.s32 $0xFFFFD800  }
0x50: {  	_ =	swait.ge [sflag:s13], $0x2800  }
0x51: {  	[sflag:s13] =	ssyncset.done $0x0  }
0x52: {  	[sflag:s13] =	ssyncadd.s32 $0xFFFFD800  }
0x53: {  	_ =	swait.ge [sflag:s13], $0x2800  }
0x54: {  	s24 =	simm.s32 $0x1400;
	s23 =	simm.s32 $0x280;
	[sflag:s13] =	ssyncset.done $0x0  }
.LBB2_10:
0x55: {  	s25 =	sadd.s32 $0x2780, s23  }
0x56: {  	[sflag:s13] =	ssyncadd.s32 $0xFFFFD800;
	s26 =	smov.u32 s24;
	s28 =	sadd.s32 $0xA00, s24  }
0x57: {  	[spmem:s3] =	stream.indirect.scatter.add.f32 [tilespmem:s17], [sflag:$0x1], $0x80, s25, s16, $0xb8;
	[tilespmem:$0x1F800] =	vst v63  }
0x58: {  	p1 =	sne.s32 s24, $0xF000;
	s24 =	sadd.s32 $0x2800, s23  }
0x59: {  	[spmem:s3] =	stream.indirect.scatter.add.f32 [tilespmem:s17], [sflag:$0x1], $0x80, s24, s16, $0xb8;
	[tilespmem:$0x1F800] =	vst v63  }
0x5a: {  	s24 =	sadd.s32 $0x2880, s23  }
0x5b: {  	[spmem:s3] =	stream.indirect.scatter.add.f32 [tilespmem:s17], [sflag:$0x1], $0x80, s24, s16, $0xb8;
	[tilespmem:$0x1F800] =	vst v63  }
0x5c: {  	s24 =	sadd.s32 $0x2900, s23  }
0x5d: {  	[spmem:s3] =	stream.indirect.scatter.add.f32 [tilespmem:s17], [sflag:$0x1], $0x80, s24, s16, $0xb8;
	[tilespmem:$0x1F800] =	vst v63  }
0x5e: {  	s23 =	sadd.s32 $0x2980, s23  }
0x5f: {  	[spmem:s3] =	stream.indirect.scatter.add.f32 [tilespmem:s17], [sflag:$0x1], $0x80, s23, s16, $0xb8;
	[tilespmem:$0x1F800] =	vst v63  }
0x60: {  	_ =	swait.ge [sflag:s13], $0x2800  }
0x61: {  	[sflag:s13] =	ssyncset.done $0x0  }
0x62: {  	[sflag:s13] =	ssyncadd.s32 $0xFFFFD800  }
0x63: {  	_ =	swait.ge [sflag:s13], $0x2800  }
0x64: {  	[sflag:s13] =	ssyncset.done $0x0  }
0x65: {  	[sflag:s13] =	ssyncadd.s32 $0xFFFFD800  }
0x66: {  	_ =	swait.ge [sflag:s13], $0x2800  }
0x67: {  	[sflag:s13] =	ssyncset.done $0x0  }
0x68: {  	[sflag:s13] =	ssyncadd.s32 $0xFFFFD800  }
.Ltmp6:
0x69: {  	_ =	swait.ge [sflag:s13], $0x2800;
	(pc) =	sbr.rel @p1 .LBB2_10-.Ltmp6, $4  }
0x6a: {  	[sflag:s13] =	ssyncset.done $0x0  }
0x6b: {  	[sflag:s13] =	ssyncadd.s32 $0xFFFFD800  }
0x6c: {  	_ =	swait.ge [sflag:s13], $0x2800  }
0x6d: {  	s24 =	smov.u32 s28;
	s23 =	sshra.s32 s26, $0x2;
	[sflag:s13] =	ssyncset.done $0x0  }
0x6e: {  	s24 =	sadd.s32 $0x2780, s23;
	[sflag:s13] =	ssyncadd.s32 $0xFFFFD800  }
0x6f: {  	[spmem:s3] =	stream.indirect.scatter.add.f32 [tilespmem:s17], [sflag:$0x1], $0x80, s24, s16, $0xb8;
	[tilespmem:$0x1F800] =	vst v63  }
0x70: {  	s25 =	sadd.s32 $0x2800, s23  }
0x71: {  	[spmem:s3] =	stream.indirect.scatter.add.f32 [tilespmem:s17], [sflag:$0x1], $0x80, s25, s16, $0xb8;
	[tilespmem:$0x1F800] =	vst v63  }
0x72: {  	s26 =	sadd.s32 $0x2880, s23  }
0x73: {  	[spmem:s3] =	stream.indirect.scatter.add.f32 [tilespmem:s17], [sflag:$0x1], $0x80, s26, s16, $0xb8;
	[tilespmem:$0x1F800] =	vst v63  }
0x74: {  	s30 =	sadd.s32 $0x2900, s23  }
0x75: {  	[spmem:s3] =	stream.indirect.scatter.add.f32 [tilespmem:s17], [sflag:$0x1], $0x80, s30, s16, $0xb8;
	[tilespmem:$0x1F800] =	vst v63  }
0x76: {  	s31 =	sadd.s32 $0x2980, s23  }
0x77: {  	[spmem:s3] =	stream.indirect.scatter.add.f32 [tilespmem:s17], [sflag:$0x1], $0x80, s31, s16, $0xb8;
	[tilespmem:$0x1F800] =	vst v63  }
0x78: {  	_ =	swait.ge [sflag:s13], $0x2800  }
0x79: {  	[sflag:s13] =	ssyncset.done $0x0  }
0x7a: {  	[sflag:s13] =	ssyncadd.s32 $0xFFFFD800  }
0x7b: {  	_ =	swait.ge [sflag:s13], $0x2800  }
0x7c: {  	[sflag:s13] =	ssyncset.done $0x0  }
0x7d: {  	[sflag:s13] =	ssyncadd.s32 $0xFFFFD800  }
0x7e: {  	_ =	swait.ge [sflag:s13], $0x2800  }
0x7f: {  	[sflag:s13] =	ssyncset.done $0x0  }
0x80: {  	[sflag:s13] =	ssyncadd.s32 $0xFFFFD800  }
0x81: {  	_ =	swait.ge [sflag:s13], $0x2800  }
0x82: {  	[sflag:s13] =	ssyncset.done $0x0  }
0x83: {  	[sflag:s13] =	ssyncadd.s32 $0xFFFFD800  }
.Ltmp7:
0x84: {  	_ =	swait.ge [sflag:s13], $0x2800;
	(pc) =	sbr.rel @!p0 .LBB2_13-.Ltmp7, $4  }
0x85: {  	s28 =	sadd.s32 $0x800, s8;
	s29 =	smov.u32 s10;
	[sflag:s13] =	ssyncset.done $0x0  }
0x86: {  	s24 =	sshrl.u32 s8, $0x3;
	s25 =	sshll.u32 s0, $0x6;
	[sflag:s13] =	ssyncadd.s32 $0xFFFFD800  }
0x87: {  	s23 =	sor.u32 $0x1C02, s25;
	s26 =	sadd.s32 $0xFFFFFFFF, s6;
	[bflag:$0x0] =	sbarrier.arrive $0xFFFF  }
0x88: {  	[hbm:s10], [sflag:s23] =	dma.local [spmem:s24], $0x100  }
.LBB2_12:
0x89: {  	p1 =	sne.s32 s26, $0x1;
	s26 =	sadd.s32 $0xFFFFFFFF, s26;
	s23 =	sor.u32 $0x1C02, s25  }
.Ltmp8:
0x8a: {  	s30 =	sshrl.u32 s28, $0x3;
	s29 =	sadd.s32 $0x100, s29;
	(pc) =	sbr.rel @p1 .LBB2_12-.Ltmp8, $3  }
0x8b: {  	[hbm:s29], [sflag:s23] =	dma.local [spmem:s30], $0x100  }
0x8c: {  	_ =	sdelay $0x1  }
0x8d: {  	s28 =	sadd.s32 $0x800, s28  }
.LBB2_13:
.Ltmp9:
0x8e: {  	(pc) =	sbr.rel @!p0 .LBB2_15-.Ltmp9, $3  }
0x8f: {  	_ =	sdelay $0x1  }
0x90: {  	_ =	swait.ge [sflag:s14], $0x100  }
0x91: {  	s25 =	sadd.s32 $0xFFFFFFFF, s6;
	[sflag:s14] =	ssyncset.done $0x0  }
.LBB2_14:
0x92: {  	p1 =	sne.s32 s25, $0x1;
	s25 =	sadd.s32 $0xFFFFFFFF, s25;
	[sflag:s14] =	ssyncadd.s32 $0xFFFFFF00  }
.Ltmp10:
0x93: {  	(pc) =	sbr.rel @p1 .LBB2_14-.Ltmp10, $3  }
0x94: {  	_ =	sdelay $0x1  }
0x95: {  	_ =	swait.ge [sflag:s14], $0x100  }
0x96: {  	[sflag:s14] =	ssyncset.done $0x0  }
.LBB2_15:
.Ltmp11:
0x97: {  	(pc) =	sbr.rel @!p0 .LBB2_17-.Ltmp11, $3  }
0x98: {  	_ =	sdelay $0x1  }
0x99: {  	[sflag:s14] =	ssyncadd.s32 $0xFFFFFF00;
	s25 =	sadd.s32 $0xFFFFFFFF, s6;
	s26 =	smov.u32 s8  }
0x9a: {  	[spmem:s8] =	stream.linear.scatter [tilespmem:s15], [sflag:$0x2], $0x800, $0x38;
	[tilespmem:$0x1F800] =	vst v63  }
.LBB2_16:
0x9b: {  	p1 =	sne.s32 s25, $0x1  }
.Ltmp12:
0x9c: {  	_ = 	snop;
	(pc) =	sbr.rel @p1 .LBB2_16-.Ltmp12, $3  }
0x9d: {  	_ = 	snop  }
0x9e: {  	s25 =	sadd.s32 $0xFFFFFFFF, s25;
	s26 =	sadd.s32 $0x800, s26;
	_ =	sdelay $0x1  }
0x9f: {  	[spmem:s26] =	stream.linear.scatter [tilespmem:s15], [sflag:$0x2], $0x800, $0x38;
	[tilespmem:$0x1F800] =	vst v63  }
.LBB2_17:
.Ltmp13:
0xa0: {  	(pc) =	sbr.rel @!p0 .LBB2_19-.Ltmp13, $3  }
0xa1: {  	_ =	sdelay $0x1  }
0xa2: {  	_ =	swait.ge [sflag:s14], $0x800  }
0xa3: {  	s25 =	sadd.s32 $0xFFFFFFFF, s6;
	[sflag:s14] =	ssyncset.done $0x0  }
.LBB2_18:
0xa4: {  	p1 =	sne.s32 s25, $0x1;
	s25 =	sadd.s32 $0xFFFFFFFF, s25;
	[sflag:s14] =	ssyncadd.s32 $0xFFFFF800  }
.Ltmp14:
0xa5: {  	(pc) =	sbr.rel @p1 .LBB2_18-.Ltmp14, $3  }
0xa6: {  	_ =	sdelay $0x1  }
0xa7: {  	_ =	swait.ge [sflag:s14], $0x800  }
0xa8: {  	[sflag:s14] =	ssyncset.done $0x0  }
.LBB2_19:
0xa9: {  	[sflag:s14] =	ssyncadd.s32 $0xFFFFF800  }
0xaa: {  	s25 =	simm.s32 $0x0;
	[bflag:$0x0] =	sbarrier.arrive $0xFFFF  }
0xab: {  	[tilespmem:s17], [sflag:$0x1] =	stream.indirect.gather [hbm4b:s1+s16], $0x80, s25, s16, $0xb8;
	[tilespmem:$0x1F800] =	vst v63  }
0xac: {  	_ = 	snop  }
0xad: {  	[tilespmem:s18], [sflag:$0x1] =	stream.indirect.gather [hbm4b:s1+s16], $0x80, s16, s16, $0xb8;
	[tilespmem:$0x1F800] =	vst v63  }
0xae: {  	s25 =	sand.u32 $0x1, s25;
	_ =	swait.ge [sflag:s13], $0x2800  }
0xaf: {  	s26 =	simm.s32 $0x8F80;
	p1 =	seq.s32 s25, $0x1;
	[sflag:s13] =	ssyncset.done $0x0  }
0xb0: {  	s31 =	simm.s32 $0x2780;
	s26 =	simm.s32 @!p1 $0x6780;
	[sflag:s13] =	ssyncadd.s32 $0xFFFFD800  }
0xb1: {  	[spmem:s3] =	stream.indirect.scatter.add.f32 [tilespmem:s26], [sflag:$0x3], $0x80, s31, s16, $0xb8;
	[tilespmem:$0x1F800] =	vst v63  }
0xb2: {  	_ =	swait.ge [sflag:s19], $0x2800  }
0xb3: {  	s30 =	simm.s32 $0xA0;
	s28 =	simm.s32 $0xF0;
	[sflag:s19] =	ssyncset.done $0x0  }
0xb4: {  	s29 =	simm.s32 $0x2800;
	s25 =	simm.s32 $0x1;
	[sflag:s19] =	ssyncadd.s32 $0xFFFFD800  }
.LBB2_20:
0xb5: {  	[tilespmem:s26], [sflag:$0x1] =	stream.indirect.gather [hbm4b:s1+s16], $0x80, s30, s16, $0xb8;
	[tilespmem:$0x1F800] =	vst v63  }
0xb6: {  	s26 =	sand.u32 $0x1, s25  }
0xb7: {  	p1 =	sne.s32 s25, $0x7A;
	s25 =	sadd.s32 $0x1, s25;
	_ =	swait.ge [sflag:s13], $0x2800  }
0xb8: {  	p2 =	seq.s32 s26, $0x1;
	s26 =	simm.s32 $0x8F80;
	[sflag:s13] =	ssyncset.done $0x0  }
.Ltmp15:
0xb9: {  	s26 =	simm.s32 @!p2 $0x6780;
	[sflag:s13] =	ssyncadd.s32 $0xFFFFD800;
	(pc) =	sbr.rel @p1 .LBB2_20-.Ltmp15, $4  }
0xba: {  	[spmem:s3] =	stream.indirect.scatter.add.f32 [tilespmem:s26], [sflag:$0x3], $0x80, s29, s16, $0xb8;
	[tilespmem:$0x1F800] =	vst v63  }
0xbb: {  	s30 =	smov.u32 s28;
	_ =	swait.ge [sflag:s19], $0x2800  }
0xbc: {  	[sflag:s19] =	ssyncset.done $0x0  }
0xbd: {  	s28 =	sadd.s32 $0x50, s28;
	s29 =	sadd.s32 $0x80, s29;
	[sflag:s19] =	ssyncadd.s32 $0xFFFFD800  }
0xbe: {  	[tilespmem:s26], [sflag:$0x1] =	stream.indirect.gather [hbm4b:s1+s16], $0x80, s30, s16, $0xb8;
	[tilespmem:$0x1F800] =	vst v63  }
0xbf: {  	_ =	swait.ge [sflag:s13], $0x2800  }
0xc0: {  	[sflag:s13] =	ssyncset.done $0x0  }
0xc1: {  	[sflag:s13] =	ssyncadd.s32 $0xFFFFD800  }
0xc2: {  	[spmem:s3] =	stream.indirect.scatter.add.f32 [tilespmem:s18], [sflag:$0x3], $0x80, s20, s16, $0xb8;
	[tilespmem:$0x1F800] =	vst v63  }
0xc3: {  	_ =	swait.ge [sflag:s19], $0x2800  }
0xc4: {  	[sflag:s19] =	ssyncset.done $0x0  }
0xc5: {  	[sflag:s19] =	ssyncadd.s32 $0xFFFFD800  }
0xc6: {  	_ =	swait.ge [sflag:s13], $0x2800  }
0xc7: {  	[sflag:s13] =	ssyncset.done $0x0  }
0xc8: {  	[sflag:s13] =	ssyncadd.s32 $0xFFFFD800  }
0xc9: {  	[spmem:s3] =	stream.indirect.scatter.add.f32 [tilespmem:s17], [sflag:$0x3], $0x80, s21, s16, $0xb8;
	[tilespmem:$0x1F800] =	vst v63  }
.Ltmp16:
0xca: {  	_ =	swait.ge [sflag:s19], $0x2800;
	(pc) =	sbr.rel @!p0 .LBB2_23-.Ltmp16, $4  }
0xcb: {  	[sflag:s19] =	ssyncset.done $0x0  }
0xcc: {  	[sflag:s19] =	ssyncadd.s32 $0xFFFFD800  }
0xcd: {  	s25 =	sadd.s32 $0xFFFFFFFF, s6;
	[bflag:$0x0] =	sbarrier.arrive $0xFFFF  }
0xce: {  	s26 =	sadd.s32 $0x100, s11;
	s28 =	sadd.s32 $0x800, s8;
	s29 =	smov.u32 s11  }
.LBB2_22:
0xcf: {  	[hbm:s29], [sflag:s23] =	dma.local [spmem:s24], $0x100  }
0xd0: {  	p1 =	sne.s32 s25, $0x1  }
.Ltmp17:
0xd1: {  	s25 =	sadd.s32 $0xFFFFFFFF, s25;
	(pc) =	sbr.rel @p1 .LBB2_22-.Ltmp17, $2  }
0xd2: {  	s29 =	smov.u32 s26;
	_ =	sdelay $0x2  }
0xd3: {  	s24 =	sshrl.u32 s28, $0x3;
	s26 =	sadd.s32 $0x100, s26;
	s28 =	sadd.s32 $0x800, s28  }
.LBB2_23:
.Ltmp18:
0xd4: {  	(pc) =	sbr.rel @!p0 .LBB2_25-.Ltmp18, $4  }
0xd5: {  	_ = 	snop  }
0xd6: {  	[hbm:s29], [sflag:s23] =	dma.local [spmem:s24], $0x100  }
0xd7: {  	_ =	swait.ge [sflag:s14], $0x100  }
0xd8: {  	s23 =	sadd.s32 $0xFFFFFFFF, s6;
	[sflag:s14] =	ssyncset.done $0x0  }
.LBB2_24:
0xd9: {  	p0 =	sne.s32 s23, $0x1;
	s23 =	sadd.s32 $0xFFFFFFFF, s23;
	[sflag:s14] =	ssyncadd.s32 $0xFFFFFF00  }
.Ltmp19:
0xda: {  	(pc) =	sbr.rel @p0 .LBB2_24-.Ltmp19, $3  }
0xdb: {  	_ =	sdelay $0x1  }
0xdc: {  	_ =	swait.ge [sflag:s14], $0x100  }
0xdd: {  	[sflag:s14] =	ssyncset.done $0x0  }
.LBB2_25:
0xde: {  	s22 =	sadd.s32 $0x1, s22  }
0xdf: {  	p0 =	sne.s32 s22, s9  }
.Ltmp20:
0xe0: {  	_ = 	snop;
	(pc) =	sbr.rel @p0 .LBB2_1-.Ltmp20, $2  }
0xe1: {  	_ =	sdelay $0x2  }
0xe2: {  	[sflag:s14] =	ssyncadd.s32 $0xFFFFFF00  }
0xe3: {  	_ =	sfence.sel $0x180000  }
0xe4: {  	[bflag:$0x0] =	sbarrier.arrive $0xFFFF  }
0xe5: {  	p0 =	sne.s32 s0, $0x0;
	_ =	strace $0x90000047  }
0xe6: {  	s0 =	sadd.s32 @!p0 $0x100000, s2;
	[bflag:$0x2] =	sbarrier.arrive $0xFFFF  }
0xe7: {  	[sflag:s0] =	ssyncadd.tile.s32 @!p0 $0x1;
	_ =	shalt  }
.Lfunc_end2:
_tile_overlayer_lowered:
.L_overlay_start_2:
0xe8: {  	(tag) =	ssettag $0x2  }
0xe9: {  	s0 =	rddreg [dreg:$0x0];
	s2 =	stileid.u32  }
0xea: {  	s1 =	rddreg [dreg:$0x1];
	p0 =	sne.s32 s2, $0x0  }
0xeb: {  	s3 =	rddreg [dreg:$0x2];
	[bflag:$0x3] =	sbarrier.arrive $0xFFFF;
	s2 =	simm.s32 @!p0 $0x1C03  }
0xec: {  	[timem:s3], [sflag:s2] =	dma.local @!p0 [hbm:s0], s1  }
0xed: {  	s0 =	simm.s32 @!p0 $0x3  }
0xee: {  	_ =	swait.ge @!p0 [sflag:s0], s1  }
0xef: {  	s1 =	ssub.s32 @!p0 $0x0, s1;
	[sflag:s0] =	ssyncset.done @!p0 $0x0  }
0xf0: {  	[sflag:s0] =	ssyncadd.s32 @!p0 s1  }
0xf1: {  	[bflag:$0x3] =	sbarrier.arrive $0xFFFF  }
0xf2: {  	_ =	shalt  }

</sc_bundles>
